<compile_context>
chip_gen: v7x
topology: tpu7x:2x2x1
jax: 0.10.2.dev20260603
libtpu: 0.0.44.dev20260713+nightly
codegen_flags: <defaults>
</compile_context>

<pallas_src>
import functools

import jax
import jax.numpy as jnp
from jax import lax
from jax.experimental import pallas as pl
from jax.experimental.pallas import tpu as pltpu
from jax.experimental.pallas import tpu_sc as plsc

D_MODEL = 192
N_HEADS = 8
N_POINTS = 4
HP = N_HEADS * N_POINTS
J = 17
HW_H = 96
HW_W = 96
HW = HW_H * HW_W
B_T = 32
N_CORNERS = 4
SAMPLES_PER_B = N_CORNERS * J * HP
N_GATHER = B_T * SAMPLES_PER_B
GATHER_WINDOW = 128
C_PACK = 128

_CORNERS = ((0, 0), (1, 0), (0, 1), (1, 1))


def _grid_xy(g, extent):
    return ((g + 1.0) * extent - 1.0) * 0.5


def _corner(x0, y0, dx, dy, wx0, wx1, wy0, wy1):
    xi = x0 + dx
    yi = y0 + dy
    valid = ((xi >= 0.0) & (xi <= HW_W - 1.0)
             & (yi >= 0.0) & (yi <= HW_H - 1.0))
    xc = jnp.clip(xi, 0.0, HW_W - 1.0)
    yc = jnp.clip(yi, 0.0, HW_H - 1.0)
    idx = (yc * HW_W + xc).astype(jnp.int32)
    w = (wx1 if dx else wx0) * (wy1 if dy else wy0)
    w = w * valid.astype(jnp.float32)
    return idx, w


def _sampler_body(ftop_ref, fbot_ref, refp_ref, woxt_ref, wwt_ref, bias_ref,
                  tab_ref, idx_ref, wts_ref):
    b = pl.program_id(0)

    r = refp_ref[0]
    gx = r[:, 0:1]
    gy = r[:, 1:2]
    x = _grid_xy(gx, HW_W)
    y = _grid_xy(gy, HW_H)
    x0 = jnp.floor(x)
    y0 = jnp.floor(y)
    wx1 = x - x0
    wx0 = 1.0 - wx1
    wy1 = y - y0
    wy0 = 1.0 - wy1
    lane = lax.broadcasted_iota(jnp.int32, (J, HW), 1)
    bmat = jnp.zeros((J, HW), jnp.float32)
    for dx, dy in _CORNERS:
        idx, w = _corner(x0, y0, dx, dy, wx0, wx1, wy0, wy1)
        bmat = bmat + jnp.where(lane == idx, w, 0.0)

    n_chunks = 12
    chunk = HW // n_chunks
    f_lo = ftop_ref[0]
    f_hi = fbot_ref[0]
    iq_top = jnp.zeros((J, 96), jnp.float32)
    iq_bot = jnp.zeros((J, 96), jnp.float32)
    for c in range(n_chunks):
        sl = slice(c * chunk, (c + 1) * chunk)
        iq_top = iq_top + jnp.dot(bmat[:, sl], f_lo[:, sl].T,
                                  preferred_element_type=jnp.float32)
        iq_bot = iq_bot + jnp.dot(bmat[:, sl], f_hi[:, sl].T,
                                  preferred_element_type=jnp.float32)
        lo = lax.bitcast_convert_type(
            f_lo[:, sl].astype(jnp.bfloat16), jnp.uint16).astype(jnp.uint32)
        hi = lax.bitcast_convert_type(
            f_hi[:, sl].astype(jnp.bfloat16), jnp.uint16).astype(jnp.uint32)
        packed = lax.bitcast_convert_type(lo | (hi << 16), jnp.int32)
        tab_ref[0, sl, 0:96] = packed.T
    tab_ref[0, :, 96:C_PACK] = jnp.zeros((HW, C_PACK - 96), jnp.int32)

    offx = (jnp.dot(iq_top, woxt_ref[0:96, 0:HP],
                    preferred_element_type=jnp.float32)
            + jnp.dot(iq_bot, woxt_ref[96:192, 0:HP],
                      preferred_element_type=jnp.float32) + bias_ref[0:1, :])
    offy = (jnp.dot(iq_top, woxt_ref[0:96, HP:2 * HP],
                    preferred_element_type=jnp.float32)
            + jnp.dot(iq_bot, woxt_ref[96:192, HP:2 * HP],
                      preferred_element_type=jnp.float32) + bias_ref[1:2, :])
    logits = (jnp.dot(iq_top, wwt_ref[0:96, :],
                      preferred_element_type=jnp.float32)
              + jnp.dot(iq_bot, wwt_ref[96:192, :],
                        preferred_element_type=jnp.float32) + bias_ref[2:3, :])
    m = jnp.max(logits, axis=1, keepdims=True)
    e = jnp.exp(logits - m)
    attn = e / jnp.sum(e, axis=1, keepdims=True)

    gx2 = jnp.clip(gx + offx, -1.0, 1.0)
    gy2 = jnp.clip(gy + offy, -1.0, 1.0)
    x = _grid_xy(gx2, HW_W)
    y = _grid_xy(gy2, HW_H)
    x0 = jnp.floor(x)
    y0 = jnp.floor(y)
    wx1 = x - x0
    wx0 = 1.0 - wx1
    wy1 = y - y0
    wy0 = 1.0 - wy1
    base = b * HW
    for ci, (dx, dy) in enumerate(_CORNERS):
        idx, w = _corner(x0, y0, dx, dy, wx0, wx1, wy0, wy1)
        idx_ref[0, ci] = idx + base
        wts_ref[0, ci] = attn * w


REDUCE_B = 8


def _reduce_body(g_ref, wts_ref, sel_ref, woutt_ref, bout_ref, out_ref):
    for i in range(REDUCE_B):
        g = lax.bitcast_convert_type(g_ref[i], jnp.uint32)
        even = lax.bitcast_convert_type(g << 16, jnp.float32)
        odd = lax.bitcast_convert_type(g & jnp.uint32(0xFFFF0000), jnp.float32)
        sel_w = sel_ref[:, :] * wts_ref[i]
        s_even = jnp.dot(sel_w, even,
                         preferred_element_type=jnp.float32)
        s_odd = jnp.dot(sel_w, odd,
                        preferred_element_type=jnp.float32)
        out_ref[i] = (jnp.dot(s_even, woutt_ref[0:C_PACK, :],
                              preferred_element_type=jnp.float32)
                      + jnp.dot(s_odd, woutt_ref[C_PACK:2 * C_PACK, :],
                                preferred_element_type=jnp.float32)
                      + bout_ref[0:1, :])


def _sc_gather(table, indices):
    mesh = plsc.VectorSubcoreMesh(core_axis_name="core",
                                  subcore_axis_name="subcore")

    @functools.partial(
        pl.kernel,
        out_type=jax.ShapeDtypeStruct((N_GATHER, C_PACK), table.dtype),
        mesh=mesh)
    def gather_kernel(tab_hbm, idx_hbm, out_hbm):
        def body(i_vmem, o_vmem):
            pltpu.sync_copy(tab_hbm.at[i_vmem.at[0]], o_vmem)

        pltpu.emit_pipeline(
            body,
            grid=(N_GATHER // GATHER_WINDOW,),
            in_specs=[pl.BlockSpec((1, GATHER_WINDOW), lambda i: (0, i))],
            out_specs=[pl.BlockSpec((GATHER_WINDOW, C_PACK),
                                    lambda i: (i, 0))],
            core_axis_name=("core", "subcore"),
            dimension_semantics=(pltpu.PARALLEL,),
        )(idx_hbm, out_hbm)

    return gather_kernel(table, indices)


def _run_sampler(ftop, fbot, refp, woxt, wwt, bias):
    return pl.pallas_call(
        _sampler_body,
        grid=(B_T,),
        in_specs=[
            pl.BlockSpec((1, 96, HW), lambda i: (i, 0, 0)),
            pl.BlockSpec((1, 96, HW), lambda i: (i, 1, 0)),
            pl.BlockSpec((1, J, 2), lambda i: (i, 0, 0)),

            pl.BlockSpec((D_MODEL, 2 * HP), lambda i: (0, 0)),
            pl.BlockSpec((D_MODEL, HP), lambda i: (0, 0)),
            pl.BlockSpec((3, HP), lambda i: (0, 0)),
        ],
        out_specs=[
            pl.BlockSpec((1, HW, C_PACK), lambda i: (i, 0, 0)),
            pl.BlockSpec((1, N_CORNERS, J, HP), lambda i: (i, 0, 0, 0)),
            pl.BlockSpec((1, N_CORNERS, J, HP), lambda i: (i, 0, 0, 0)),
        ],
        out_shape=[
            jax.ShapeDtypeStruct((B_T, HW, C_PACK), jnp.int32),
            jax.ShapeDtypeStruct((B_T, N_CORNERS, J, HP), jnp.int32),
            jax.ShapeDtypeStruct((B_T, N_CORNERS, J, HP), jnp.float32),
        ],
    )(ftop, fbot, refp, woxt, wwt, bias)


def _run_reduce(g, wts, sel, woutt, bout):
    return pl.pallas_call(
        _reduce_body,
        in_specs=[
            pl.BlockSpec((REDUCE_B, SAMPLES_PER_B, C_PACK),
                         lambda i: (i, 0, 0)),
            pl.BlockSpec((REDUCE_B, 1, SAMPLES_PER_B), lambda i: (i, 0, 0)),
            pl.BlockSpec((J, SAMPLES_PER_B), lambda i: (0, 0)),
            pl.BlockSpec((2 * C_PACK, D_MODEL), lambda i: (0, 0)),
            pl.BlockSpec((1, D_MODEL), lambda i: (0, 0)),
        ],
        grid=(B_T // REDUCE_B,),
        out_specs=pl.BlockSpec((REDUCE_B, J, D_MODEL), lambda i: (i, 0, 0)),
        out_shape=jax.ShapeDtypeStruct((B_T, J, D_MODEL), jnp.float32),
    )(g, wts, sel, woutt, bout)


def _selector():
    r = jnp.arange(SAMPLES_PER_B)
    jj = (r // HP) % J
    return (jj[None, :] == jnp.arange(J)[:, None]).astype(jnp.float32)



def kernel(video_features, reference_points, W_off, b_off, W_w, b_w, W_out, b_out):
    feat = video_features.reshape(B_T, D_MODEL, HW)
    woxt = jnp.concatenate([W_off[0::2].T, W_off[1::2].T], axis=1)
    wwt = W_w.T
    bias = jnp.stack([b_off[0::2], b_off[1::2], b_w], axis=0)

    wt = W_out.T
    pad = jnp.zeros((C_PACK - D_MODEL // 2, D_MODEL), jnp.float32)
    woutt_eo = jnp.concatenate(
        [wt[0:96], pad, wt[96:192], pad], axis=0)

    table, idx, wts = _run_sampler(feat, feat, reference_points,
                                   woxt, wwt, bias)
    gathered = _sc_gather(table.reshape(B_T * HW, C_PACK),
                          idx.reshape(1, N_GATHER))
    out = _run_reduce(gathered.reshape(B_T, SAMPLES_PER_B, C_PACK),
                      wts.reshape(B_T, 1, SAMPLES_PER_B), _selector(),
                      woutt_eo, b_out.reshape(1, D_MODEL))
    return out

# --- scband reference (transcript-rebuilt; emitter-appended) ---
"""Pipeline reference for scband-multi-scale-deformable-keypoint-sampler-68925635166332 (READ-ONLY COPY).

The authoritative reference and input builder live on the scoring server;
editing this copy changes nothing except your own understanding.
"""

import jax, jax.numpy as jnp
import numpy as np
import math

D_MODEL = 192
N_HEADS = 8
N_POINTS = 4


def grid_sample_bilinear(feat, grid):
    # feat: [B, C, H, W]; grid: [B, Hg, Wg, 2] in [-1, 1]; align_corners=False, zero padding
    B, C, H, W = feat.shape
    gx = grid[..., 0]
    gy = grid[..., 1]
    x = ((gx + 1.0) * W - 1.0) / 2.0
    y = ((gy + 1.0) * H - 1.0) / 2.0
    x0 = jnp.floor(x)
    y0 = jnp.floor(y)
    x1 = x0 + 1.0
    y1 = y0 + 1.0
    wx1 = x - x0
    wx0 = 1.0 - wx1
    wy1 = y - y0
    wy0 = 1.0 - wy1

    def gather(xi, yi):
        valid = (xi >= 0) & (xi <= W - 1) & (yi >= 0) & (yi <= H - 1)
        xc = jnp.clip(xi, 0, W - 1).astype(jnp.int32)
        yc = jnp.clip(yi, 0, H - 1).astype(jnp.int32)
        vals = jax.vmap(lambda f, yy, xx: f[:, yy, xx])(feat, yc, xc)  # [B, C, Hg, Wg]
        return vals * valid[:, None, :, :].astype(feat.dtype)

    v00 = gather(x0, y0)
    v01 = gather(x1, y0)
    v10 = gather(x0, y1)
    v11 = gather(x1, y1)
    out = (v00 * (wx0 * wy0)[:, None]
           + v01 * (wx1 * wy0)[:, None]
           + v10 * (wx0 * wy1)[:, None]
           + v11 * (wx1 * wy1)[:, None])
    return out  # [B, C, Hg, Wg]


def setup_inputs(seed: int = 0) -> dict:
    key = jax.random.key(seed)
    ks = jax.random.split(key, 4)
    B_T, C, H, W = 32, D_MODEL, 96, 96
    J = 17
    video_features = jax.random.normal(ks[0], (B_T, C, H, W), dtype=jnp.float32)
    reference_points = jax.random.uniform(ks[1], (B_T, J, 2), dtype=jnp.float32)
    # Parameters, replicating the torch module's _reset_parameters
    W_off = jnp.zeros((N_HEADS * N_POINTS * 2, D_MODEL), dtype=jnp.float32)
    thetas = np.arange(N_HEADS, dtype=np.float32) * (2.0 * math.pi / N_HEADS)
    grid_init = np.stack([np.cos(thetas), np.sin(thetas)], -1)
    grid_init = np.tile(grid_init.reshape(N_HEADS, 1, 2), (1, N_POINTS, 1))
    for i in range(N_POINTS):
        grid_init[:, i, :] *= (i + 1)
    b_off = jnp.asarray(0.01 * grid_init.reshape(-1), dtype=jnp.float32)
    W_w = jnp.zeros((N_HEADS * N_POINTS, D_MODEL), dtype=jnp.float32)
    b_w = jnp.zeros((N_HEADS * N_POINTS,), dtype=jnp.float32)
    a = math.sqrt(6.0 / (D_MODEL + D_MODEL))
    W_out = jax.random.uniform(ks[2], (D_MODEL, D_MODEL), dtype=jnp.float32, minval=-a, maxval=a)
    b_out = jnp.zeros((D_MODEL,), dtype=jnp.float32)
    return {"video_features": video_features, "reference_points": reference_points,
            "W_off": W_off, "b_off": b_off, "W_w": W_w, "b_w": b_w,
            "W_out": W_out, "b_out": b_out}


def reference(video_features, reference_points, W_off, b_off, W_w, b_w, W_out, b_out):
    B_T, C, H, W = video_features.shape
    J = reference_points.shape[1]
    # initial queries via bilinear sampling at the reference points
    iq = grid_sample_bilinear(video_features, reference_points[:, :, None, :])  # [B, C, J, 1]
    iq = iq[..., 0].transpose(0, 2, 1)  # [B, J, C]
    offsets = (iq @ W_off.T + b_off).reshape(B_T, J, N_HEADS, N_POINTS, 2)
    weights = iq @ W_w.T + b_w  # [B, J, H*P]
    weights = jax.nn.softmax(weights, axis=-1).reshape(B_T, J, N_HEADS, N_POINTS, 1)
    final_grid = jnp.clip(reference_points.reshape(B_T, J, 1, 1, 2) + offsets, -1.0, 1.0)
    sampled = grid_sample_bilinear(video_features, final_grid.reshape(B_T, J * N_HEADS * N_POINTS, 1, 2))  # [B, C, J*H*P, 1]
    sampled = sampled.reshape(B_T, C, J, N_HEADS, N_POINTS).transpose(0, 2, 3, 4, 1)  # [B, J, H, P, C]
    output_features = (sampled * weights).sum(axis=(2, 3))  # [B, J, C]
    return output_features @ W_out.T + b_out

if __name__ == "__main__":
    import jax
    _d = setup_inputs()
    print(jax.jit(kernel)(*tuple(_d.values())))

</pallas_src>

<mosaic_0001>
#map = affine_map<(d0, d1) -> (0, 0)>
module attributes {stable_mosaic.version = 14 : i64} {
  func.func @gather_kernel(%arg0: i32, %arg1: i32, %arg2: memref<294912x128xi32, #tpu.memory_space<hbm>>, %arg3: memref<1x69632xi32, #tpu.memory_space<hbm>>, %arg4: memref<69632x128xi32, #tpu.memory_space<hbm>>) attributes {dimension_semantics = [#tpu.dimension_semantics<core_parallel>, #tpu.dimension_semantics<subcore_parallel>], iteration_bounds = array<i64: 2, 16>, scalar_prefetch = 0 : i64, scratch_operands = 0 : i64, tpu.core_type = #tpu.core_type<sc_vector_subcore>, window_params = [{transform_indices = #map}, {transform_indices = #map}, {transform_indices = #map}]} {
    %mul3A = arith.constant 1 : i32
    %mul3A_0 = arith.muli %arg1, %mul3A : i32
    %add3A = arith.constant 0 : i32
    %add3A_1 = arith.addi %add3A, %mul3A_0 : i32
    %mul3A_2 = arith.constant 16 : i32
    %mul3A_3 = arith.muli %arg0, %mul3A_2 : i32
    %add3A_4 = arith.addi %add3A_1, %mul3A_3 : i32
    %mul3A_5 = arith.constant 17 : i32
    %mul3A_6 = arith.muli %add3A_4, %mul3A_5 : i32
    "tpu.region"() ({
      %run_scoped3A = memref.alloca() : memref<2x1x128xi32, #tpu.memory_space<vmem>>
      %run_scoped3A_7 = tpu.sem_alloc : memref<2x!tpu.dma_semaphore, #tpu.memory_space<semaphore_mem>>
      %run_scoped3A_8 = memref.alloca() : memref<2x128x128xi32, #tpu.memory_space<vmem>>
      %run_scoped3A_9 = tpu.sem_alloc : memref<2x!tpu.dma_semaphore, #tpu.memory_space<semaphore_mem>>
      %add3A_10 = arith.constant 0 : i32
      %add3A_11 = arith.addi %add3A_10, %mul3A_6 : i32
      %select_n3A = arith.constant true
      %select_n3A_12 = arith.constant 0 : i32
      %select_n3A_13 = arith.constant -1 : i32
      %select_n3A_14 = arith.select %select_n3A, %select_n3A_13, %select_n3A_12 : i32
      %eq3A = arith.constant -1 : i32
      %eq3A_15 = arith.cmpi eq, %select_n3A_14, %eq3A : i32
      %select_n3A_16 = arith.constant 16 : i32
      %select_n3A_17 = arith.select %eq3A_15, %select_n3A_16, %select_n3A_14 : i32
      %add3A_18 = arith.addi %select_n3A_17, %mul3A_6 : i32
      %select_n3A_19 = arith.constant true
      %select_n3A_20 = arith.constant 0 : i32
      %select_n3A_21 = arith.constant 1 : i32
      %select_n3A_22 = arith.select %select_n3A_19, %select_n3A_21, %select_n3A_20 : i32
      %eq3A_23 = arith.constant 17 : i32
      %eq3A_24 = arith.cmpi eq, %select_n3A_22, %eq3A_23 : i32
      %select_n3A_25 = arith.constant 0 : i32
      %select_n3A_26 = arith.select %eq3A_24, %select_n3A_25, %select_n3A_22 : i32
      %add3A_27 = arith.addi %select_n3A_26, %mul3A_6 : i32
      %add3A_28 = arith.constant 1 : i32
      %add3A_29 = arith.addi %select_n3A_26, %add3A_28 : i32
      %select_n3A_30 = arith.constant true
      %select_n3A_31 = arith.select %select_n3A_30, %add3A_29, %select_n3A_26 : i32
      %eq3A_32 = arith.constant 17 : i32
      %eq3A_33 = arith.cmpi eq, %select_n3A_31, %eq3A_32 : i32
      %select_n3A_34 = arith.constant 0 : i32
      %select_n3A_35 = arith.select %eq3A_33, %select_n3A_34, %select_n3A_31 : i32
      %add3A_36 = arith.addi %select_n3A_35, %mul3A_6 : i32
      "tpu.trace_start"() <{level = 10 : i32, message = "ep_initialize_0"}> : () -> ()
      %rem3A = arith.constant 0 : i32
      %rem3A_37 = arith.constant 2 : i32
      %rem3A_38 = arith.remui %rem3A, %rem3A_37 : i32
      %mul3A_39 = arith.constant 128 : i32
      %mul3A_40 = arith.muli %mul3A_39, %add3A_11 : i32
      %dma_start3A = arith.constant 0 : i32
      %dma_start3A_41 = arith.constant 0 : i32
      %dma_start3A_42 = tpu.memref_slice %run_scoped3A[%rem3A_38, %dma_start3A, %dma_start3A_41] : memref<2x1x128xi32, #tpu.memory_space<vmem>> -> memref<1x1x128xi32, #tpu.memory_space<vmem>>
      %dma_start3A_43 = tpu.memref_squeeze %dma_start3A_42 : memref<1x1x128xi32, #tpu.memory_space<vmem>> -> memref<1x128xi32, #tpu.memory_space<vmem>>
      %dma_start3A_44 = arith.constant 0 : i32
      %dma_start3A_45 = tpu.memref_slice %arg3[%dma_start3A_44, %mul3A_40] : memref<1x69632xi32, #tpu.memory_space<hbm>> -> memref<1x128xi32, #tpu.memory_space<hbm>>
      %dma_start3A_46 = tpu.memref_slice %run_scoped3A_7[%rem3A_38] : memref<2x!tpu.dma_semaphore, #tpu.memory_space<semaphore_mem>> -> memref<1x!tpu.dma_semaphore, #tpu.memory_space<semaphore_mem>>
      %dma_start3A_47 = tpu.memref_squeeze %dma_start3A_46 : memref<1x!tpu.dma_semaphore, #tpu.memory_space<semaphore_mem>> -> memref<!tpu.dma_semaphore, #tpu.memory_space<semaphore_mem>>
      %dma_start3A_48 = arith.constant 0 : i32
      %dma_start3A_49 = arith.constant 0 : i32
      %dma_start3A_50 = tpu.memref_slice %run_scoped3A[%rem3A_38, %dma_start3A_48, %dma_start3A_49] : memref<2x1x128xi32, #tpu.memory_space<vmem>> -> memref<1x1x128xi32, #tpu.memory_space<vmem>>
      %dma_start3A_51 = tpu.memref_squeeze %dma_start3A_50 : memref<1x1x128xi32, #tpu.memory_space<vmem>> -> memref<1x128xi32, #tpu.memory_space<vmem>>
      %dma_start3A_52 = arith.constant 0 : i32
      %dma_start3A_53 = tpu.memref_slice %arg3[%dma_start3A_52, %mul3A_40] : memref<1x69632xi32, #tpu.memory_space<hbm>> -> memref<1x128xi32, #tpu.memory_space<hbm>>
      tpu.enqueue_dma source(%dma_start3A_53 : memref<1x128xi32, #tpu.memory_space<hbm>>) target(%dma_start3A_51 : memref<1x128xi32, #tpu.memory_space<vmem>>) target_semaphore(%dma_start3A_47 : memref<!tpu.dma_semaphore, #tpu.memory_space<semaphore_mem>>)
      %add3A_54 = arith.constant 0 : i32
      %add3A_55 = arith.constant 1 : i32
      %add3A_56 = arith.addi %add3A_54, %add3A_55 : i32
      %select_n3A_57 = arith.constant true
      %select_n3A_58 = arith.constant 0 : i32
      %select_n3A_59 = arith.select %select_n3A_57, %add3A_56, %select_n3A_58 : i32
      "tpu.trace_stop"() : () -> ()
      %scan3A = arith.constant 0 : i32
      %scan3A_60 = arith.constant 0 : i32
      %scan3A_61 = arith.constant 0 : i32
      %scan3A_62 = arith.constant 0 : i32
      %scan3A_63 = arith.constant 0 : i32
      %scan3A_64 = arith.constant 17 : i32
      %scan3A_65 = arith.addi %scan3A_63, %scan3A_64 : i32
      %scan3A_66 = arith.constant 1 : i32
      %scan3A_67:5 = scf.for %scan3A_121 = %scan3A_63 to %scan3A_65 step %scan3A_66 iter_args(%scan3A_122 = %select_n3A_59, %scan3A_123 = %scan3A, %scan3A_124 = %scan3A_60, %scan3A_125 = %scan3A_61, %scan3A_126 = %scan3A_62) -> (i32, i32, i32, i32, i32)  : i32 {
        %eq3A_127 = arith.constant 0 : i32
        %eq3A_128 = arith.cmpi eq, %scan3A_121, %eq3A_127 : i32
        %eq3A_129 = arith.constant 16 : i32
        %eq3A_130 = arith.cmpi eq, %scan3A_121, %eq3A_129 : i32
        %add3A_131 = arith.addi %scan3A_126, %mul3A_6 : i32
        %sub3A_132 = arith.constant 1 : i32
        %sub3A_133 = arith.subi %scan3A_126, %sub3A_132 : i32
        %select_n3A_134 = arith.constant true
        %select_n3A_135 = arith.select %select_n3A_134, %sub3A_133, %scan3A_126 : i32
        %eq3A_136 = arith.constant -1 : i32
        %eq3A_137 = arith.cmpi eq, %select_n3A_135, %eq3A_136 : i32
        %select_n3A_138 = arith.constant 16 : i32
        %select_n3A_139 = arith.select %eq3A_137, %select_n3A_138, %select_n3A_135 : i32
        %add3A_140 = arith.addi %select_n3A_139, %mul3A_6 : i32
        %add3A_141 = arith.constant 1 : i32
        %add3A_142 = arith.addi %scan3A_126, %add3A_141 : i32
        %select_n3A_143 = arith.constant true
        %select_n3A_144 = arith.select %select_n3A_143, %add3A_142, %scan3A_126 : i32
        %eq3A_145 = arith.constant 17 : i32
        %eq3A_146 = arith.cmpi eq, %select_n3A_144, %eq3A_145 : i32
        %select_n3A_147 = arith.constant 0 : i32
        %select_n3A_148 = arith.select %eq3A_146, %select_n3A_147, %select_n3A_144 : i32
        %add3A_149 = arith.addi %select_n3A_148, %mul3A_6 : i32
        %add3A_150 = arith.constant 1 : i32
        %add3A_151 = arith.addi %select_n3A_148, %add3A_150 : i32
        %select_n3A_152 = arith.constant true
        %select_n3A_153 = arith.select %select_n3A_152, %add3A_151, %select_n3A_148 : i32
        %eq3A_154 = arith.constant 17 : i32
        %eq3A_155 = arith.cmpi eq, %select_n3A_153, %eq3A_154 : i32
        %select_n3A_156 = arith.constant 0 : i32
        %select_n3A_157 = arith.select %eq3A_155, %select_n3A_156, %select_n3A_153 : i32
        %add3A_158 = arith.addi %select_n3A_157, %mul3A_6 : i32
        %ne3A = arith.cmpi ne, %add3A_131, %add3A_149 : i32
        %or3A = arith.constant false
        %or3A_159 = arith.ori %or3A, %ne3A : i1
        %ge3A = arith.constant 16 : i32
        %ge3A_160 = arith.cmpi sge, %scan3A_121, %ge3A : i32
        %not3A = arith.constant true
        %not3A_161 = arith.xori %ge3A_160, %not3A : i1
        %and3A = arith.andi %or3A_159, %not3A_161 : i1
        %convert_element_type3A = arith.extui %and3A : i1 to i32
        %cond3A = arith.constant 0 : i32
        %cond3A_162 = arith.cmpi ne, %convert_element_type3A, %cond3A : i32
        scf.if %cond3A_162 {
          "tpu.trace_start"() <{level = 10 : i32, message = "ep_copy_in"}> : () -> ()
          %rem3A_264 = arith.constant 2 : i32
          %rem3A_265 = arith.remui %scan3A_122, %rem3A_264 : i32
          %mul3A_266 = arith.constant 128 : i32
          %mul3A_267 = arith.muli %mul3A_266, %add3A_149 : i32
          %dma_start3A_268 = arith.constant 0 : i32
          %dma_start3A_269 = arith.constant 0 : i32
          %dma_start3A_270 = tpu.memref_slice %run_scoped3A[%rem3A_265, %dma_start3A_268, %dma_start3A_269] : memref<2x1x128xi32, #tpu.memory_space<vmem>> -> memref<1x1x128xi32, #tpu.memory_space<vmem>>
          %dma_start3A_271 = tpu.memref_squeeze %dma_start3A_270 : memref<1x1x128xi32, #tpu.memory_space<vmem>> -> memref<1x128xi32, #tpu.memory_space<vmem>>
          %dma_start3A_272 = arith.constant 0 : i32
          %dma_start3A_273 = tpu.memref_slice %arg3[%dma_start3A_272, %mul3A_267] : memref<1x69632xi32, #tpu.memory_space<hbm>> -> memref<1x128xi32, #tpu.memory_space<hbm>>
          %dma_start3A_274 = tpu.memref_slice %run_scoped3A_7[%rem3A_265] : memref<2x!tpu.dma_semaphore, #tpu.memory_space<semaphore_mem>> -> memref<1x!tpu.dma_semaphore, #tpu.memory_space<semaphore_mem>>
          %dma_start3A_275 = tpu.memref_squeeze %dma_start3A_274 : memref<1x!tpu.dma_semaphore, #tpu.memory_space<semaphore_mem>> -> memref<!tpu.dma_semaphore, #tpu.memory_space<semaphore_mem>>
          %dma_start3A_276 = arith.constant 0 : i32
          %dma_start3A_277 = arith.constant 0 : i32
          %dma_start3A_278 = tpu.memref_slice %run_scoped3A[%rem3A_265, %dma_start3A_276, %dma_start3A_277] : memref<2x1x128xi32, #tpu.memory_space<vmem>> -> memref<1x1x128xi32, #tpu.memory_space<vmem>>
          %dma_start3A_279 = tpu.memref_squeeze %dma_start3A_278 : memref<1x1x128xi32, #tpu.memory_space<vmem>> -> memref<1x128xi32, #tpu.memory_space<vmem>>
          %dma_start3A_280 = arith.constant 0 : i32
          %dma_start3A_281 = tpu.memref_slice %arg3[%dma_start3A_280, %mul3A_267] : memref<1x69632xi32, #tpu.memory_space<hbm>> -> memref<1x128xi32, #tpu.memory_space<hbm>>
          tpu.enqueue_dma source(%dma_start3A_281 : memref<1x128xi32, #tpu.memory_space<hbm>>) target(%dma_start3A_279 : memref<1x128xi32, #tpu.memory_space<vmem>>) target_semaphore(%dma_start3A_275 : memref<!tpu.dma_semaphore, #tpu.memory_space<semaphore_mem>>)
          "tpu.trace_stop"() : () -> ()
        } else {
        }
        %and3A_163 = arith.constant true
        %and3A_164 = arith.andi %and3A, %and3A_163 : i1
        %add3A_165 = arith.constant 1 : i32
        %add3A_166 = arith.addi %scan3A_122, %add3A_165 : i32
        %select_n3A_167 = arith.select %and3A_164, %add3A_166, %scan3A_122 : i32
        %ne3A_168 = arith.cmpi ne, %add3A_131, %add3A_149 : i32
        %or3A_169 = arith.constant false
        %or3A_170 = arith.ori %or3A_169, %ne3A_168 : i1
        %or3A_171 = arith.constant false
        %or3A_172 = arith.ori %or3A_170, %or3A_171 : i1
        %ge3A_173 = arith.constant 16 : i32
        %ge3A_174 = arith.cmpi sge, %scan3A_121, %ge3A_173 : i32
        %not3A_175 = arith.constant true
        %not3A_176 = arith.xori %ge3A_174, %not3A_175 : i1
        %and3A_177 = arith.andi %or3A_172, %not3A_176 : i1
        %ne3A_178 = arith.cmpi ne, %add3A_131, %add3A_140 : i32
        %or3A_179 = arith.constant false
        %or3A_180 = arith.ori %or3A_179, %ne3A_178 : i1
        %or3A_181 = arith.ori %or3A_180, %eq3A_128 : i1
        %convert_element_type3A_182 = arith.extui %or3A_181 : i1 to i32
        %cond3A_183 = arith.constant 0 : i32
        %cond3A_184 = arith.cmpi ne, %convert_element_type3A_182, %cond3A_183 : i32
        scf.if %cond3A_184 {
          "tpu.trace_start"() <{level = 10 : i32, message = "ep_wait_in"}> : () -> ()
          %mul3A_264 = arith.constant 128 : i32
          %mul3A_265 = arith.muli %mul3A_264, %add3A_131 : i32
          %rem3A_266 = arith.constant 2 : i32
          %rem3A_267 = arith.remui %scan3A_123, %rem3A_266 : i32
          %dma_wait3A_268 = arith.constant 0 : i32
          %dma_wait3A_269 = arith.constant 0 : i32
          %dma_wait3A_270 = tpu.memref_slice %run_scoped3A[%rem3A_267, %dma_wait3A_268, %dma_wait3A_269] : memref<2x1x128xi32, #tpu.memory_space<vmem>> -> memref<1x1x128xi32, #tpu.memory_space<vmem>>
          %dma_wait3A_271 = tpu.memref_squeeze %dma_wait3A_270 : memref<1x1x128xi32, #tpu.memory_space<vmem>> -> memref<1x128xi32, #tpu.memory_space<vmem>>
          %dma_wait3A_272 = arith.constant 0 : i32
          %dma_wait3A_273 = tpu.memref_slice %arg3[%dma_wait3A_272, %mul3A_265] : memref<1x69632xi32, #tpu.memory_space<hbm>> -> memref<1x128xi32, #tpu.memory_space<hbm>>
          %dma_wait3A_274 = tpu.memref_slice %run_scoped3A_7[%rem3A_267] : memref<2x!tpu.dma_semaphore, #tpu.memory_space<semaphore_mem>> -> memref<1x!tpu.dma_semaphore, #tpu.memory_space<semaphore_mem>>
          %dma_wait3A_275 = tpu.memref_squeeze %dma_wait3A_274 : memref<1x!tpu.dma_semaphore, #tpu.memory_space<semaphore_mem>> -> memref<!tpu.dma_semaphore, #tpu.memory_space<semaphore_mem>>
          %dma_wait3A_276 = arith.constant 0 : i32
          %dma_wait3A_277 = arith.constant 0 : i32
          %dma_wait3A_278 = tpu.memref_slice %run_scoped3A[%rem3A_267, %dma_wait3A_276, %dma_wait3A_277] : memref<2x1x128xi32, #tpu.memory_space<vmem>> -> memref<1x1x128xi32, #tpu.memory_space<vmem>>
          %dma_wait3A_279 = tpu.memref_squeeze %dma_wait3A_278 : memref<1x1x128xi32, #tpu.memory_space<vmem>> -> memref<1x128xi32, #tpu.memory_space<vmem>>
          %dma_wait3A_280 = arith.constant 0 : i32
          %dma_wait3A_281 = tpu.memref_slice %arg3[%dma_wait3A_280, %mul3A_265] : memref<1x69632xi32, #tpu.memory_space<hbm>> -> memref<1x128xi32, #tpu.memory_space<hbm>>
          tpu.wait_dma2 semaphore(%dma_wait3A_275 : memref<!tpu.dma_semaphore, #tpu.memory_space<semaphore_mem>>) src(%dma_wait3A_281 : memref<1x128xi32, #tpu.memory_space<hbm>>) dst(%dma_wait3A_279 : memref<1x128xi32, #tpu.memory_space<vmem>>)
          "tpu.trace_stop"() : () -> ()
        } else {
        }
        %ne3A_185 = arith.cmpi ne, %add3A_131, %add3A_140 : i32
        %or3A_186 = arith.constant false
        %or3A_187 = arith.ori %or3A_186, %ne3A_185 : i1
        %or3A_188 = arith.constant false
        %or3A_189 = arith.ori %or3A_187, %or3A_188 : i1
        %or3A_190 = arith.ori %or3A_189, %eq3A_128 : i1
        %convert_element_type3A_191 = arith.extui %or3A_190 : i1 to i32
        %cond3A_192 = arith.constant 0 : i32
        %cond3A_193 = arith.cmpi ne, %convert_element_type3A_191, %cond3A_192 : i32
        scf.if %cond3A_193 {
        } else {
        }
        %rem3A_194 = arith.constant 2 : i32
        %rem3A_195 = arith.remui %scan3A_123, %rem3A_194 : i32
        %rem3A_196 = arith.constant 2 : i32
        %rem3A_197 = arith.remui %scan3A_124, %rem3A_196 : i32
        %run_scoped3A_198 = arith.constant 0 : i32
        "tpu.trace_start"() <{level = 10 : i32, message = "ep_run_kernel"}> : () -> ()
        "tpu.region"() ({
          %run_scoped3A_264 = tpu.sem_alloc : memref<!tpu.dma_semaphore, #tpu.memory_space<semaphore_mem>>
          %dma_start3A_265 = arith.constant 0 : i32
          %dma_start3A_266 = arith.constant 0 : i32
          %dma_start3A_267 = tpu.memref_slice %run_scoped3A_8[%rem3A_197, %dma_start3A_265, %dma_start3A_266] : memref<2x128x128xi32, #tpu.memory_space<vmem>> -> memref<1x128x128xi32, #tpu.memory_space<vmem>>
          %dma_start3A_268 = tpu.memref_squeeze %dma_start3A_267 : memref<1x128x128xi32, #tpu.memory_space<vmem>> -> memref<128x128xi32, #tpu.memory_space<vmem>>
          %dma_start3A_269 = arith.constant 0 : i32
          %dma_start3A_270 = arith.constant 0 : i32
          %dma_start3A_271 = tpu.memref_slice %run_scoped3A[%rem3A_195, %dma_start3A_269, %dma_start3A_270] : memref<2x1x128xi32, #tpu.memory_space<vmem>> -> memref<1x1x128xi32, #tpu.memory_space<vmem>>
          %dma_start3A_272 = tpu.memref_squeeze %dma_start3A_271 : memref<1x1x128xi32, #tpu.memory_space<vmem>> -> memref<1x128xi32, #tpu.memory_space<vmem>>
          %dma_start3A_273 = arith.constant 0 : i32
          %dma_start3A_274 = tpu.memref_slice %dma_start3A_272[%run_scoped3A_198, %dma_start3A_273] : memref<1x128xi32, #tpu.memory_space<vmem>> -> memref<1x128xi32, #tpu.memory_space<vmem>>
          %dma_start3A_275 = tpu.memref_squeeze %dma_start3A_274 : memref<1x128xi32, #tpu.memory_space<vmem>> -> memref<128xi32, #tpu.memory_space<vmem>>
          %dma_start3A_276 = arith.constant 0 : i32
          %dma_start3A_277 = arith.constant 0 : i32
          %dma_start3A_278 = tpu.memref_slice %arg2[%dma_start3A_276, %dma_start3A_277] : memref<294912x128xi32, #tpu.memory_space<hbm>> -> memref<294912x128xi32, #tpu.memory_space<hbm>>
          tpu.enqueue_indirect_dma source(%dma_start3A_278 : memref<294912x128xi32, #tpu.memory_space<hbm>>) target(%dma_start3A_268 : memref<128x128xi32, #tpu.memory_space<vmem>>) offsets(%dma_start3A_275 : memref<128xi32, #tpu.memory_space<vmem>>) semaphore(%run_scoped3A_264 : memref<!tpu.dma_semaphore, #tpu.memory_space<semaphore_mem>>)
          %dma_wait3A_279 = arith.constant 0 : i32
          %dma_wait3A_280 = arith.constant 0 : i32
          %dma_wait3A_281 = tpu.memref_slice %run_scoped3A_8[%rem3A_197, %dma_wait3A_279, %dma_wait3A_280] : memref<2x128x128xi32, #tpu.memory_space<vmem>> -> memref<1x128x128xi32, #tpu.memory_space<vmem>>
          %dma_wait3A_282 = tpu.memref_squeeze %dma_wait3A_281 : memref<1x128x128xi32, #tpu.memory_space<vmem>> -> memref<128x128xi32, #tpu.memory_space<vmem>>
          %dma_wait3A_283 = arith.constant 0 : i32
          %dma_wait3A_284 = arith.constant 0 : i32
          %dma_wait3A_285 = tpu.memref_slice %run_scoped3A[%rem3A_195, %dma_wait3A_283, %dma_wait3A_284] : memref<2x1x128xi32, #tpu.memory_space<vmem>> -> memref<1x1x128xi32, #tpu.memory_space<vmem>>
          %dma_wait3A_286 = tpu.memref_squeeze %dma_wait3A_285 : memref<1x1x128xi32, #tpu.memory_space<vmem>> -> memref<1x128xi32, #tpu.memory_space<vmem>>
          %dma_wait3A_287 = arith.constant 0 : i32
          %dma_wait3A_288 = tpu.memref_slice %dma_wait3A_286[%run_scoped3A_198, %dma_wait3A_287] : memref<1x128xi32, #tpu.memory_space<vmem>> -> memref<1x128xi32, #tpu.memory_space<vmem>>
          %dma_wait3A_289 = tpu.memref_squeeze %dma_wait3A_288 : memref<1x128xi32, #tpu.memory_space<vmem>> -> memref<128xi32, #tpu.memory_space<vmem>>
          %dma_wait3A_290 = arith.constant 0 : i32
          %dma_wait3A_291 = arith.constant 0 : i32
          %dma_wait3A_292 = tpu.memref_slice %arg2[%dma_wait3A_290, %dma_wait3A_291] : memref<294912x128xi32, #tpu.memory_space<hbm>> -> memref<294912x128xi32, #tpu.memory_space<hbm>>
          tpu.wait_indirect_dma semaphore(%run_scoped3A_264 : memref<!tpu.dma_semaphore, #tpu.memory_space<semaphore_mem>>) src(%dma_wait3A_292 : memref<294912x128xi32, #tpu.memory_space<hbm>>) dst(%dma_wait3A_282 : memref<128x128xi32, #tpu.memory_space<vmem>>)
          tpu.yield
        }) : () -> ()
        "tpu.trace_stop"() : () -> ()
        %ne3A_199 = arith.cmpi ne, %add3A_131, %add3A_149 : i32
        %or3A_200 = arith.constant false
        %or3A_201 = arith.ori %or3A_200, %ne3A_199 : i1
        %or3A_202 = arith.ori %or3A_201, %eq3A_130 : i1
        %convert_element_type3A_203 = arith.extui %or3A_202 : i1 to i32
        %cond3A_204 = arith.constant 0 : i32
        %cond3A_205 = arith.cmpi ne, %convert_element_type3A_203, %cond3A_204 : i32
        scf.if %cond3A_205 {
        } else {
        }
        %and3A_206 = arith.constant false
        %and3A_207 = arith.andi %or3A_202, %and3A_206 : i1
        %ne3A_208 = arith.cmpi ne, %add3A_131, %add3A_149 : i32
        %or3A_209 = arith.constant false
        %or3A_210 = arith.ori %or3A_209, %ne3A_208 : i1
        %or3A_211 = arith.constant false
        %or3A_212 = arith.ori %or3A_210, %or3A_211 : i1
        %or3A_213 = arith.ori %or3A_212, %eq3A_130 : i1
        %convert_element_type3A_214 = arith.extui %or3A_213 : i1 to i32
        %cond3A_215 = arith.constant 0 : i32
        %cond3A_216 = arith.cmpi ne, %convert_element_type3A_214, %cond3A_215 : i32
        scf.if %cond3A_216 {
          "tpu.trace_start"() <{level = 10 : i32, message = "ep_copy_out"}> : () -> ()
          %rem3A_264 = arith.constant 2 : i32
          %rem3A_265 = arith.remui %scan3A_124, %rem3A_264 : i32
          %mul3A_266 = arith.constant 128 : i32
          %mul3A_267 = arith.muli %mul3A_266, %add3A_131 : i32
          %dma_start3A_268 = arith.constant 0 : i32
          %dma_start3A_269 = arith.constant 0 : i32
          %dma_start3A_270 = tpu.memref_slice %run_scoped3A_8[%rem3A_265, %dma_start3A_268, %dma_start3A_269] : memref<2x128x128xi32, #tpu.memory_space<vmem>> -> memref<1x128x128xi32, #tpu.memory_space<vmem>>
          %dma_start3A_271 = tpu.memref_squeeze %dma_start3A_270 : memref<1x128x128xi32, #tpu.memory_space<vmem>> -> memref<128x128xi32, #tpu.memory_space<vmem>>
          %dma_start3A_272 = arith.constant 0 : i32
          %dma_start3A_273 = tpu.memref_slice %arg4[%mul3A_267, %dma_start3A_272] : memref<69632x128xi32, #tpu.memory_space<hbm>> -> memref<128x128xi32, #tpu.memory_space<hbm>>
          %dma_start3A_274 = tpu.memref_slice %run_scoped3A_9[%rem3A_265] : memref<2x!tpu.dma_semaphore, #tpu.memory_space<semaphore_mem>> -> memref<1x!tpu.dma_semaphore, #tpu.memory_space<semaphore_mem>>
          %dma_start3A_275 = tpu.memref_squeeze %dma_start3A_274 : memref<1x!tpu.dma_semaphore, #tpu.memory_space<semaphore_mem>> -> memref<!tpu.dma_semaphore, #tpu.memory_space<semaphore_mem>>
          %dma_start3A_276 = arith.constant 0 : i32
          %dma_start3A_277 = tpu.memref_slice %arg4[%mul3A_267, %dma_start3A_276] : memref<69632x128xi32, #tpu.memory_space<hbm>> -> memref<128x128xi32, #tpu.memory_space<hbm>>
          %dma_start3A_278 = arith.constant 0 : i32
          %dma_start3A_279 = arith.constant 0 : i32
          %dma_start3A_280 = tpu.memref_slice %run_scoped3A_8[%rem3A_265, %dma_start3A_278, %dma_start3A_279] : memref<2x128x128xi32, #tpu.memory_space<vmem>> -> memref<1x128x128xi32, #tpu.memory_space<vmem>>
          %dma_start3A_281 = tpu.memref_squeeze %dma_start3A_280 : memref<1x128x128xi32, #tpu.memory_space<vmem>> -> memref<128x128xi32, #tpu.memory_space<vmem>>
          tpu.enqueue_dma source(%dma_start3A_281 : memref<128x128xi32, #tpu.memory_space<vmem>>) target(%dma_start3A_277 : memref<128x128xi32, #tpu.memory_space<hbm>>) target_semaphore(%dma_start3A_275 : memref<!tpu.dma_semaphore, #tpu.memory_space<semaphore_mem>>)
          "tpu.trace_stop"() : () -> ()
        } else {
        }
        %and3A_217 = arith.constant true
        %and3A_218 = arith.andi %or3A_213, %and3A_217 : i1
        %add3A_219 = arith.constant 1 : i32
        %add3A_220 = arith.addi %scan3A_124, %add3A_219 : i32
        %select_n3A_221 = arith.select %and3A_218, %add3A_220, %scan3A_124 : i32
        %ne3A_222 = arith.cmpi ne, %add3A_131, %add3A_140 : i32
        %or3A_223 = arith.constant false
        %or3A_224 = arith.ori %or3A_223, %ne3A_222 : i1
        %not3A_225 = arith.constant true
        %not3A_226 = arith.xori %eq3A_128, %not3A_225 : i1
        %and3A_227 = arith.andi %or3A_224, %not3A_226 : i1
        %convert_element_type3A_228 = arith.extui %and3A_227 : i1 to i32
        %cond3A_229 = arith.constant 0 : i32
        %cond3A_230 = arith.cmpi ne, %convert_element_type3A_228, %cond3A_229 : i32
        scf.if %cond3A_230 {
        } else {
        }
        %and3A_231 = arith.constant false
        %and3A_232 = arith.andi %and3A_227, %and3A_231 : i1
        %ne3A_233 = arith.cmpi ne, %add3A_131, %add3A_140 : i32
        %or3A_234 = arith.constant false
        %or3A_235 = arith.ori %or3A_234, %ne3A_233 : i1
        %or3A_236 = arith.constant false
        %or3A_237 = arith.ori %or3A_235, %or3A_236 : i1
        %not3A_238 = arith.constant true
        %not3A_239 = arith.xori %eq3A_128, %not3A_238 : i1
        %and3A_240 = arith.andi %or3A_237, %not3A_239 : i1
        %convert_element_type3A_241 = arith.extui %and3A_240 : i1 to i32
        %cond3A_242 = arith.constant 0 : i32
        %cond3A_243 = arith.cmpi ne, %convert_element_type3A_241, %cond3A_242 : i32
        scf.if %cond3A_243 {
          "tpu.trace_start"() <{level = 10 : i32, message = "ep_wait_out"}> : () -> ()
          %rem3A_264 = arith.constant 2 : i32
          %rem3A_265 = arith.remui %scan3A_125, %rem3A_264 : i32
          %mul3A_266 = arith.constant 128 : i32
          %mul3A_267 = arith.muli %mul3A_266, %add3A_140 : i32
          %dma_wait3A_268 = arith.constant 0 : i32
          %dma_wait3A_269 = arith.constant 0 : i32
          %dma_wait3A_270 = tpu.memref_slice %run_scoped3A_8[%rem3A_265, %dma_wait3A_268, %dma_wait3A_269] : memref<2x128x128xi32, #tpu.memory_space<vmem>> -> memref<1x128x128xi32, #tpu.memory_space<vmem>>
          %dma_wait3A_271 = tpu.memref_squeeze %dma_wait3A_270 : memref<1x128x128xi32, #tpu.memory_space<vmem>> -> memref<128x128xi32, #tpu.memory_space<vmem>>
          %dma_wait3A_272 = arith.constant 0 : i32
          %dma_wait3A_273 = tpu.memref_slice %arg4[%mul3A_267, %dma_wait3A_272] : memref<69632x128xi32, #tpu.memory_space<hbm>> -> memref<128x128xi32, #tpu.memory_space<hbm>>
          %dma_wait3A_274 = tpu.memref_slice %run_scoped3A_9[%rem3A_265] : memref<2x!tpu.dma_semaphore, #tpu.memory_space<semaphore_mem>> -> memref<1x!tpu.dma_semaphore, #tpu.memory_space<semaphore_mem>>
          %dma_wait3A_275 = tpu.memref_squeeze %dma_wait3A_274 : memref<1x!tpu.dma_semaphore, #tpu.memory_space<semaphore_mem>> -> memref<!tpu.dma_semaphore, #tpu.memory_space<semaphore_mem>>
          %dma_wait3A_276 = arith.constant 0 : i32
          %dma_wait3A_277 = tpu.memref_slice %arg4[%mul3A_267, %dma_wait3A_276] : memref<69632x128xi32, #tpu.memory_space<hbm>> -> memref<128x128xi32, #tpu.memory_space<hbm>>
          %dma_wait3A_278 = arith.constant 0 : i32
          %dma_wait3A_279 = arith.constant 0 : i32
          %dma_wait3A_280 = tpu.memref_slice %run_scoped3A_8[%rem3A_265, %dma_wait3A_278, %dma_wait3A_279] : memref<2x128x128xi32, #tpu.memory_space<vmem>> -> memref<1x128x128xi32, #tpu.memory_space<vmem>>
          %dma_wait3A_281 = tpu.memref_squeeze %dma_wait3A_280 : memref<1x128x128xi32, #tpu.memory_space<vmem>> -> memref<128x128xi32, #tpu.memory_space<vmem>>
          tpu.wait_dma2 semaphore(%dma_wait3A_275 : memref<!tpu.dma_semaphore, #tpu.memory_space<semaphore_mem>>) src(%dma_wait3A_281 : memref<128x128xi32, #tpu.memory_space<vmem>>) dst(%dma_wait3A_277 : memref<128x128xi32, #tpu.memory_space<hbm>>)
          "tpu.trace_stop"() : () -> ()
        } else {
        }
        %and3A_244 = arith.constant true
        %and3A_245 = arith.andi %and3A_240, %and3A_244 : i1
        %add3A_246 = arith.constant 1 : i32
        %add3A_247 = arith.addi %scan3A_125, %add3A_246 : i32
        %select_n3A_248 = arith.select %and3A_245, %add3A_247, %scan3A_125 : i32
        %ne3A_249 = arith.cmpi ne, %add3A_131, %add3A_149 : i32
        %or3A_250 = arith.constant false
        %or3A_251 = arith.ori %or3A_250, %ne3A_249 : i1
        %or3A_252 = arith.ori %or3A_251, %eq3A_130 : i1
        %add3A_253 = arith.constant 1 : i32
        %add3A_254 = arith.addi %scan3A_123, %add3A_253 : i32
        %select_n3A_255 = arith.select %or3A_252, %add3A_254, %scan3A_123 : i32
        %add3A_256 = arith.constant 1 : i32
        %add3A_257 = arith.addi %scan3A_126, %add3A_256 : i32
        %select_n3A_258 = arith.constant true
        %select_n3A_259 = arith.select %select_n3A_258, %add3A_257, %scan3A_126 : i32
        %eq3A_260 = arith.constant 17 : i32
        %eq3A_261 = arith.cmpi eq, %select_n3A_259, %eq3A_260 : i32
        %select_n3A_262 = arith.constant 0 : i32
        %select_n3A_263 = arith.select %eq3A_261, %select_n3A_262, %select_n3A_259 : i32
        scf.yield %select_n3A_167, %select_n3A_255, %select_n3A_221, %select_n3A_248, %select_n3A_263 : i32, i32, i32, i32, i32
      }
      %scan3A_68 = arith.constant 17 : i32
      %sub3A = arith.constant 1 : i32
      %sub3A_69 = arith.subi %scan3A_67#4, %sub3A : i32
      %select_n3A_70 = arith.constant true
      %select_n3A_71 = arith.select %select_n3A_70, %sub3A_69, %scan3A_67#4 : i32
      %eq3A_72 = arith.constant -1 : i32
      %eq3A_73 = arith.cmpi eq, %select_n3A_71, %eq3A_72 : i32
      %select_n3A_74 = arith.constant 16 : i32
      %select_n3A_75 = arith.select %eq3A_73, %select_n3A_74, %select_n3A_71 : i32
      %add3A_76 = arith.addi %select_n3A_75, %mul3A_6 : i32
      %sub3A_77 = arith.constant 1 : i32
      %sub3A_78 = arith.subi %select_n3A_75, %sub3A_77 : i32
      %select_n3A_79 = arith.constant true
      %select_n3A_80 = arith.select %select_n3A_79, %sub3A_78, %select_n3A_75 : i32
      %eq3A_81 = arith.constant -1 : i32
      %eq3A_82 = arith.cmpi eq, %select_n3A_80, %eq3A_81 : i32
      %select_n3A_83 = arith.constant 16 : i32
      %select_n3A_84 = arith.select %eq3A_82, %select_n3A_83, %select_n3A_80 : i32
      %add3A_85 = arith.addi %select_n3A_84, %mul3A_6 : i32
      %add3A_86 = arith.constant 1 : i32
      %add3A_87 = arith.addi %select_n3A_75, %add3A_86 : i32
      %select_n3A_88 = arith.constant true
      %select_n3A_89 = arith.select %select_n3A_88, %add3A_87, %select_n3A_75 : i32
      %eq3A_90 = arith.constant 17 : i32
      %eq3A_91 = arith.cmpi eq, %select_n3A_89, %eq3A_90 : i32
      %select_n3A_92 = arith.constant 0 : i32
      %select_n3A_93 = arith.select %eq3A_91, %select_n3A_92, %select_n3A_89 : i32
      %add3A_94 = arith.addi %select_n3A_93, %mul3A_6 : i32
      %add3A_95 = arith.constant 1 : i32
      %add3A_96 = arith.addi %select_n3A_93, %add3A_95 : i32
      %select_n3A_97 = arith.constant true
      %select_n3A_98 = arith.select %select_n3A_97, %add3A_96, %select_n3A_93 : i32
      %eq3A_99 = arith.constant 17 : i32
      %eq3A_100 = arith.cmpi eq, %select_n3A_98, %eq3A_99 : i32
      %select_n3A_101 = arith.constant 0 : i32
      %select_n3A_102 = arith.select %eq3A_100, %select_n3A_101, %select_n3A_98 : i32
      %add3A_103 = arith.addi %select_n3A_102, %mul3A_6 : i32
      "tpu.trace_start"() <{level = 10 : i32, message = "ep_finalize"}> : () -> ()
      %rem3A_104 = arith.constant 2 : i32
      %rem3A_105 = arith.remui %scan3A_67#3, %rem3A_104 : i32
      %mul3A_106 = arith.constant 128 : i32
      %mul3A_107 = arith.muli %mul3A_106, %add3A_76 : i32
      %dma_wait3A = arith.constant 0 : i32
      %dma_wait3A_108 = arith.constant 0 : i32
      %dma_wait3A_109 = tpu.memref_slice %run_scoped3A_8[%rem3A_105, %dma_wait3A, %dma_wait3A_108] : memref<2x128x128xi32, #tpu.memory_space<vmem>> -> memref<1x128x128xi32, #tpu.memory_space<vmem>>
      %dma_wait3A_110 = tpu.memref_squeeze %dma_wait3A_109 : memref<1x128x128xi32, #tpu.memory_space<vmem>> -> memref<128x128xi32, #tpu.memory_space<vmem>>
      %dma_wait3A_111 = arith.constant 0 : i32
      %dma_wait3A_112 = tpu.memref_slice %arg4[%mul3A_107, %dma_wait3A_111] : memref<69632x128xi32, #tpu.memory_space<hbm>> -> memref<128x128xi32, #tpu.memory_space<hbm>>
      %dma_wait3A_113 = tpu.memref_slice %run_scoped3A_9[%rem3A_105] : memref<2x!tpu.dma_semaphore, #tpu.memory_space<semaphore_mem>> -> memref<1x!tpu.dma_semaphore, #tpu.memory_space<semaphore_mem>>
      %dma_wait3A_114 = tpu.memref_squeeze %dma_wait3A_113 : memref<1x!tpu.dma_semaphore, #tpu.memory_space<semaphore_mem>> -> memref<!tpu.dma_semaphore, #tpu.memory_space<semaphore_mem>>
      %dma_wait3A_115 = arith.constant 0 : i32
      %dma_wait3A_116 = tpu.memref_slice %arg4[%mul3A_107, %dma_wait3A_115] : memref<69632x128xi32, #tpu.memory_space<hbm>> -> memref<128x128xi32, #tpu.memory_space<hbm>>
      %dma_wait3A_117 = arith.constant 0 : i32
      %dma_wait3A_118 = arith.constant 0 : i32
      %dma_wait3A_119 = tpu.memref_slice %run_scoped3A_8[%rem3A_105, %dma_wait3A_117, %dma_wait3A_118] : memref<2x128x128xi32, #tpu.memory_space<vmem>> -> memref<1x128x128xi32, #tpu.memory_space<vmem>>
      %dma_wait3A_120 = tpu.memref_squeeze %dma_wait3A_119 : memref<1x128x128xi32, #tpu.memory_space<vmem>> -> memref<128x128xi32, #tpu.memory_space<vmem>>
      tpu.wait_dma2 semaphore(%dma_wait3A_114 : memref<!tpu.dma_semaphore, #tpu.memory_space<semaphore_mem>>) src(%dma_wait3A_120 : memref<128x128xi32, #tpu.memory_space<vmem>>) dst(%dma_wait3A_116 : memref<128x128xi32, #tpu.memory_space<hbm>>)
      "tpu.trace_stop"() : () -> ()
      tpu.yield
    }) : () -> ()
    return
  }
}

module attributes {stable_mosaic.version = 14 : i64} {
  func.func @_sampler_body(%arg0: i32, %arg1: memref<1x96x9216xf32, #tpu.memory_space<vmem>>, %arg2: memref<1x96x9216xf32, #tpu.memory_space<vmem>>, %arg3: memref<1x17x2xf32, #tpu.memory_space<vmem>>, %arg4: memref<192x64xf32, #tpu.memory_space<vmem>>, %arg5: memref<192x32xf32, #tpu.memory_space<vmem>>, %arg6: memref<3x32xf32, #tpu.memory_space<vmem>>, %arg7: memref<1x9216x128xi32, #tpu.memory_space<vmem>>, %arg8: memref<1x4x17x32xi32, #tpu.memory_space<vmem>>, %arg9: memref<1x4x17x32xf32, #tpu.memory_space<vmem>>) attributes {dimension_semantics = [#tpu.dimension_semantics<arbitrary>], iteration_bounds = array<i64: 32>, scalar_prefetch = 0 : i64, scratch_operands = 0 : i64, tpu.core_type = #tpu.core_type<tc>, window_params = [{transform_indices = @transform_0, window_bounds = array<i64: 1, 96, 9216>}, {transform_indices = @transform_1, window_bounds = array<i64: 1, 96, 9216>}, {transform_indices = @transform_2, window_bounds = array<i64: 1, 17, 2>}, {pipeline_mode = #tpu.pipeline_mode<synchronous>, transform_indices = @transform_3, window_bounds = array<i64: 192, 64>}, {pipeline_mode = #tpu.pipeline_mode<synchronous>, transform_indices = @transform_4, window_bounds = array<i64: 192, 32>}, {pipeline_mode = #tpu.pipeline_mode<synchronous>, transform_indices = @transform_5, window_bounds = array<i64: 3, 32>}, {transform_indices = @transform_6, window_bounds = array<i64: 1, 9216, 128>}, {transform_indices = @transform_7, window_bounds = array<i64: 1, 4, 17, 32>}, {transform_indices = @transform_8, window_bounds = array<i64: 1, 4, 17, 32>}]} {
    %get3A = arith.constant 0 : index
    %get3A_0 = arith.constant 0 : index
    %get3A_1 = arith.constant 0 : index
    %get3A_2 = vector.load %arg3[%get3A, %get3A_0, %get3A_1] : memref<1x17x2xf32, #tpu.memory_space<vmem>>, vector<1x17x2xf32>
    %get3A_3 = vector.shape_cast %get3A_2 : vector<1x17x2xf32> to vector<17x2xf32>
    %slice3A = vector.extract_strided_slice %get3A_3 {offsets = [0, 0], sizes = [17, 1], strides = [1, 1]} : vector<17x2xf32> to vector<17x1xf32>
    %slice3A_4 = vector.extract_strided_slice %get3A_3 {offsets = [0, 1], sizes = [17, 1], strides = [1, 1]} : vector<17x2xf32> to vector<17x1xf32>
    %add3A = arith.constant 1.000000e+00 : f32
    %add3A_5 = vector.broadcast %add3A : f32 to vector<17x1xf32>
    %add3A_6 = arith.addf %slice3A, %add3A_5 : vector<17x1xf32>
    %mul3A = arith.constant 9.600000e+01 : f32
    %mul3A_7 = vector.broadcast %mul3A : f32 to vector<17x1xf32>
    %mul3A_8 = arith.mulf %add3A_6, %mul3A_7 : vector<17x1xf32>
    %sub3A = arith.constant 1.000000e+00 : f32
    %sub3A_9 = vector.broadcast %sub3A : f32 to vector<17x1xf32>
    %sub3A_10 = arith.subf %mul3A_8, %sub3A_9 : vector<17x1xf32>
    %mul3A_11 = arith.constant 5.000000e-01 : f32
    %mul3A_12 = vector.broadcast %mul3A_11 : f32 to vector<17x1xf32>
    %mul3A_13 = arith.mulf %sub3A_10, %mul3A_12 : vector<17x1xf32>
    %add3A_14 = arith.constant 1.000000e+00 : f32
    %add3A_15 = vector.broadcast %add3A_14 : f32 to vector<17x1xf32>
    %add3A_16 = arith.addf %slice3A_4, %add3A_15 : vector<17x1xf32>
    %mul3A_17 = arith.constant 9.600000e+01 : f32
    %mul3A_18 = vector.broadcast %mul3A_17 : f32 to vector<17x1xf32>
    %mul3A_19 = arith.mulf %add3A_16, %mul3A_18 : vector<17x1xf32>
    %sub3A_20 = arith.constant 1.000000e+00 : f32
    %sub3A_21 = vector.broadcast %sub3A_20 : f32 to vector<17x1xf32>
    %sub3A_22 = arith.subf %mul3A_19, %sub3A_21 : vector<17x1xf32>
    %mul3A_23 = arith.constant 5.000000e-01 : f32
    %mul3A_24 = vector.broadcast %mul3A_23 : f32 to vector<17x1xf32>
    %mul3A_25 = arith.mulf %sub3A_22, %mul3A_24 : vector<17x1xf32>
    %floor3A = math.floor %mul3A_13 : vector<17x1xf32>
    %floor3A_26 = math.floor %mul3A_25 : vector<17x1xf32>
    %sub3A_27 = arith.subf %mul3A_13, %floor3A : vector<17x1xf32>
    %sub3A_28 = arith.constant 1.000000e+00 : f32
    %sub3A_29 = vector.broadcast %sub3A_28 : f32 to vector<17x1xf32>
    %sub3A_30 = arith.subf %sub3A_29, %sub3A_27 : vector<17x1xf32>
    %sub3A_31 = arith.subf %mul3A_25, %floor3A_26 : vector<17x1xf32>
    %sub3A_32 = arith.constant 1.000000e+00 : f32
    %sub3A_33 = vector.broadcast %sub3A_32 : f32 to vector<17x1xf32>
    %sub3A_34 = arith.subf %sub3A_33, %sub3A_31 : vector<17x1xf32>
    %iota3A = tpu.iota {dimensions = array<i32: 1>} : vector<17x9216xi32>
    %broadcast_in_dim3A = arith.constant 0.000000e+00 : f32
    %broadcast_in_dim3A_35 = vector.broadcast %broadcast_in_dim3A : f32 to vector<17x9216xf32>
    %add3A_36 = arith.constant 0.000000e+00 : f32
    %add3A_37 = vector.broadcast %add3A_36 : f32 to vector<17x1xf32>
    %add3A_38 = arith.addf %floor3A, %add3A_37 : vector<17x1xf32>
    %add3A_39 = arith.constant 0.000000e+00 : f32
    %add3A_40 = vector.broadcast %add3A_39 : f32 to vector<17x1xf32>
    %add3A_41 = arith.addf %floor3A_26, %add3A_40 : vector<17x1xf32>
    %ge3A = arith.constant 0.000000e+00 : f32
    %ge3A_42 = vector.broadcast %ge3A : f32 to vector<17x1xf32>
    %ge3A_43 = arith.cmpf oge, %add3A_38, %ge3A_42 : vector<17x1xf32>
    %le3A = arith.constant 9.500000e+01 : f32
    %le3A_44 = vector.broadcast %le3A : f32 to vector<17x1xf32>
    %le3A_45 = arith.cmpf ole, %add3A_38, %le3A_44 : vector<17x1xf32>
    %and3A = arith.andi %ge3A_43, %le3A_45 : vector<17x1xi1>
    %ge3A_46 = arith.constant 0.000000e+00 : f32
    %ge3A_47 = vector.broadcast %ge3A_46 : f32 to vector<17x1xf32>
    %ge3A_48 = arith.cmpf oge, %add3A_41, %ge3A_47 : vector<17x1xf32>
    %and3A_49 = arith.andi %and3A, %ge3A_48 : vector<17x1xi1>
    %le3A_50 = arith.constant 9.500000e+01 : f32
    %le3A_51 = vector.broadcast %le3A_50 : f32 to vector<17x1xf32>
    %le3A_52 = arith.cmpf ole, %add3A_41, %le3A_51 : vector<17x1xf32>
    %and3A_53 = arith.andi %and3A_49, %le3A_52 : vector<17x1xi1>
    %jit3A = arith.constant 0.000000e+00 : f32
    %jit3A_54 = arith.constant 9.500000e+01 : f32
    %max3A = vector.broadcast %jit3A : f32 to vector<17x1xf32>
    %max3A_55 = arith.maximumf %max3A, %add3A_38 : vector<17x1xf32>
    %min3A = vector.broadcast %jit3A_54 : f32 to vector<17x1xf32>
    %min3A_56 = arith.minimumf %min3A, %max3A_55 : vector<17x1xf32>
    %jit3A_57 = arith.constant 0.000000e+00 : f32
    %jit3A_58 = arith.constant 9.500000e+01 : f32
    %max3A_59 = vector.broadcast %jit3A_57 : f32 to vector<17x1xf32>
    %max3A_60 = arith.maximumf %max3A_59, %add3A_41 : vector<17x1xf32>
    %min3A_61 = vector.broadcast %jit3A_58 : f32 to vector<17x1xf32>
    %min3A_62 = arith.minimumf %min3A_61, %max3A_60 : vector<17x1xf32>
    %mul3A_63 = arith.constant 9.600000e+01 : f32
    %mul3A_64 = vector.broadcast %mul3A_63 : f32 to vector<17x1xf32>
    %mul3A_65 = arith.mulf %min3A_62, %mul3A_64 : vector<17x1xf32>
    %add3A_66 = arith.addf %mul3A_65, %min3A_56 : vector<17x1xf32>
    %convert_element_type3A = arith.fptosi %add3A_66 : vector<17x1xf32> to vector<17x1xi32>
    %mul3A_67 = arith.mulf %sub3A_30, %sub3A_34 : vector<17x1xf32>
    %convert_element_type3A_68 = arith.extui %and3A_53 : vector<17x1xi1> to vector<17x1xi32>
    %convert_element_type3A_69 = arith.sitofp %convert_element_type3A_68 : vector<17x1xi32> to vector<17x1xf32>
    %mul3A_70 = arith.mulf %mul3A_67, %convert_element_type3A_69 : vector<17x1xf32>
    %eq3A = vector.broadcast %convert_element_type3A : vector<17x1xi32> to vector<17x9216xi32>
    %eq3A_71 = arith.cmpi eq, %iota3A, %eq3A : vector<17x9216xi32>
    %jit3A_72 = arith.constant 0.000000e+00 : f32
    %broadcast_in_dim3A_73 = vector.shape_cast %mul3A_70 : vector<17x1xf32> to vector<17x1xf32>
    %broadcast_in_dim3A_74 = vector.broadcast %broadcast_in_dim3A_73 : vector<17x1xf32> to vector<17x9216xf32>
    %broadcast_in_dim3A_75 = vector.broadcast %jit3A_72 : f32 to vector<17x9216xf32>
    %select_n3A = arith.select %eq3A_71, %broadcast_in_dim3A_74, %broadcast_in_dim3A_75 : vector<17x9216xi1>, vector<17x9216xf32>
    %add3A_76 = arith.addf %broadcast_in_dim3A_35, %select_n3A : vector<17x9216xf32>
    %add3A_77 = arith.constant 1.000000e+00 : f32
    %add3A_78 = vector.broadcast %add3A_77 : f32 to vector<17x1xf32>
    %add3A_79 = arith.addf %floor3A, %add3A_78 : vector<17x1xf32>
    %add3A_80 = arith.constant 0.000000e+00 : f32
    %add3A_81 = vector.broadcast %add3A_80 : f32 to vector<17x1xf32>
    %add3A_82 = arith.addf %floor3A_26, %add3A_81 : vector<17x1xf32>
    %ge3A_83 = arith.constant 0.000000e+00 : f32
    %ge3A_84 = vector.broadcast %ge3A_83 : f32 to vector<17x1xf32>
    %ge3A_85 = arith.cmpf oge, %add3A_79, %ge3A_84 : vector<17x1xf32>
    %le3A_86 = arith.constant 9.500000e+01 : f32
    %le3A_87 = vector.broadcast %le3A_86 : f32 to vector<17x1xf32>
    %le3A_88 = arith.cmpf ole, %add3A_79, %le3A_87 : vector<17x1xf32>
    %and3A_89 = arith.andi %ge3A_85, %le3A_88 : vector<17x1xi1>
    %ge3A_90 = arith.constant 0.000000e+00 : f32
    %ge3A_91 = vector.broadcast %ge3A_90 : f32 to vector<17x1xf32>
    %ge3A_92 = arith.cmpf oge, %add3A_82, %ge3A_91 : vector<17x1xf32>
    %and3A_93 = arith.andi %and3A_89, %ge3A_92 : vector<17x1xi1>
    %le3A_94 = arith.constant 9.500000e+01 : f32
    %le3A_95 = vector.broadcast %le3A_94 : f32 to vector<17x1xf32>
    %le3A_96 = arith.cmpf ole, %add3A_82, %le3A_95 : vector<17x1xf32>
    %and3A_97 = arith.andi %and3A_93, %le3A_96 : vector<17x1xi1>
    %jit3A_98 = arith.constant 0.000000e+00 : f32
    %jit3A_99 = arith.constant 9.500000e+01 : f32
    %max3A_100 = vector.broadcast %jit3A_98 : f32 to vector<17x1xf32>
    %max3A_101 = arith.maximumf %max3A_100, %add3A_79 : vector<17x1xf32>
    %min3A_102 = vector.broadcast %jit3A_99 : f32 to vector<17x1xf32>
    %min3A_103 = arith.minimumf %min3A_102, %max3A_101 : vector<17x1xf32>
    %jit3A_104 = arith.constant 0.000000e+00 : f32
    %jit3A_105 = arith.constant 9.500000e+01 : f32
    %max3A_106 = vector.broadcast %jit3A_104 : f32 to vector<17x1xf32>
    %max3A_107 = arith.maximumf %max3A_106, %add3A_82 : vector<17x1xf32>
    %min3A_108 = vector.broadcast %jit3A_105 : f32 to vector<17x1xf32>
    %min3A_109 = arith.minimumf %min3A_108, %max3A_107 : vector<17x1xf32>
    %mul3A_110 = arith.constant 9.600000e+01 : f32
    %mul3A_111 = vector.broadcast %mul3A_110 : f32 to vector<17x1xf32>
    %mul3A_112 = arith.mulf %min3A_109, %mul3A_111 : vector<17x1xf32>
    %add3A_113 = arith.addf %mul3A_112, %min3A_103 : vector<17x1xf32>
    %convert_element_type3A_114 = arith.fptosi %add3A_113 : vector<17x1xf32> to vector<17x1xi32>
    %mul3A_115 = arith.mulf %sub3A_27, %sub3A_34 : vector<17x1xf32>
    %convert_element_type3A_116 = arith.extui %and3A_97 : vector<17x1xi1> to vector<17x1xi32>
    %convert_element_type3A_117 = arith.sitofp %convert_element_type3A_116 : vector<17x1xi32> to vector<17x1xf32>
    %mul3A_118 = arith.mulf %mul3A_115, %convert_element_type3A_117 : vector<17x1xf32>
    %eq3A_119 = vector.broadcast %convert_element_type3A_114 : vector<17x1xi32> to vector<17x9216xi32>
    %eq3A_120 = arith.cmpi eq, %iota3A, %eq3A_119 : vector<17x9216xi32>
    %jit3A_121 = arith.constant 0.000000e+00 : f32
    %broadcast_in_dim3A_122 = vector.shape_cast %mul3A_118 : vector<17x1xf32> to vector<17x1xf32>
    %broadcast_in_dim3A_123 = vector.broadcast %broadcast_in_dim3A_122 : vector<17x1xf32> to vector<17x9216xf32>
    %broadcast_in_dim3A_124 = vector.broadcast %jit3A_121 : f32 to vector<17x9216xf32>
    %select_n3A_125 = arith.select %eq3A_120, %broadcast_in_dim3A_123, %broadcast_in_dim3A_124 : vector<17x9216xi1>, vector<17x9216xf32>
    %add3A_126 = arith.addf %add3A_76, %select_n3A_125 : vector<17x9216xf32>
    %add3A_127 = arith.constant 0.000000e+00 : f32
    %add3A_128 = vector.broadcast %add3A_127 : f32 to vector<17x1xf32>
    %add3A_129 = arith.addf %floor3A, %add3A_128 : vector<17x1xf32>
    %add3A_130 = arith.constant 1.000000e+00 : f32
    %add3A_131 = vector.broadcast %add3A_130 : f32 to vector<17x1xf32>
    %add3A_132 = arith.addf %floor3A_26, %add3A_131 : vector<17x1xf32>
    %ge3A_133 = arith.constant 0.000000e+00 : f32
    %ge3A_134 = vector.broadcast %ge3A_133 : f32 to vector<17x1xf32>
    %ge3A_135 = arith.cmpf oge, %add3A_129, %ge3A_134 : vector<17x1xf32>
    %le3A_136 = arith.constant 9.500000e+01 : f32
    %le3A_137 = vector.broadcast %le3A_136 : f32 to vector<17x1xf32>
    %le3A_138 = arith.cmpf ole, %add3A_129, %le3A_137 : vector<17x1xf32>
    %and3A_139 = arith.andi %ge3A_135, %le3A_138 : vector<17x1xi1>
    %ge3A_140 = arith.constant 0.000000e+00 : f32
    %ge3A_141 = vector.broadcast %ge3A_140 : f32 to vector<17x1xf32>
    %ge3A_142 = arith.cmpf oge, %add3A_132, %ge3A_141 : vector<17x1xf32>
    %and3A_143 = arith.andi %and3A_139, %ge3A_142 : vector<17x1xi1>
    %le3A_144 = arith.constant 9.500000e+01 : f32
    %le3A_145 = vector.broadcast %le3A_144 : f32 to vector<17x1xf32>
    %le3A_146 = arith.cmpf ole, %add3A_132, %le3A_145 : vector<17x1xf32>
    %and3A_147 = arith.andi %and3A_143, %le3A_146 : vector<17x1xi1>
    %jit3A_148 = arith.constant 0.000000e+00 : f32
    %jit3A_149 = arith.constant 9.500000e+01 : f32
    %max3A_150 = vector.broadcast %jit3A_148 : f32 to vector<17x1xf32>
    %max3A_151 = arith.maximumf %max3A_150, %add3A_129 : vector<17x1xf32>
    %min3A_152 = vector.broadcast %jit3A_149 : f32 to vector<17x1xf32>
    %min3A_153 = arith.minimumf %min3A_152, %max3A_151 : vector<17x1xf32>
    %jit3A_154 = arith.constant 0.000000e+00 : f32
    %jit3A_155 = arith.constant 9.500000e+01 : f32
    %max3A_156 = vector.broadcast %jit3A_154 : f32 to vector<17x1xf32>
    %max3A_157 = arith.maximumf %max3A_156, %add3A_132 : vector<17x1xf32>
    %min3A_158 = vector.broadcast %jit3A_155 : f32 to vector<17x1xf32>
    %min3A_159 = arith.minimumf %min3A_158, %max3A_157 : vector<17x1xf32>
    %mul3A_160 = arith.constant 9.600000e+01 : f32
    %mul3A_161 = vector.broadcast %mul3A_160 : f32 to vector<17x1xf32>
    %mul3A_162 = arith.mulf %min3A_159, %mul3A_161 : vector<17x1xf32>
    %add3A_163 = arith.addf %mul3A_162, %min3A_153 : vector<17x1xf32>
    %convert_element_type3A_164 = arith.fptosi %add3A_163 : vector<17x1xf32> to vector<17x1xi32>
    %mul3A_165 = arith.mulf %sub3A_30, %sub3A_31 : vector<17x1xf32>
    %convert_element_type3A_166 = arith.extui %and3A_147 : vector<17x1xi1> to vector<17x1xi32>
    %convert_element_type3A_167 = arith.sitofp %convert_element_type3A_166 : vector<17x1xi32> to vector<17x1xf32>
    %mul3A_168 = arith.mulf %mul3A_165, %convert_element_type3A_167 : vector<17x1xf32>
    %eq3A_169 = vector.broadcast %convert_element_type3A_164 : vector<17x1xi32> to vector<17x9216xi32>
    %eq3A_170 = arith.cmpi eq, %iota3A, %eq3A_169 : vector<17x9216xi32>
    %jit3A_171 = arith.constant 0.000000e+00 : f32
    %broadcast_in_dim3A_172 = vector.shape_cast %mul3A_168 : vector<17x1xf32> to vector<17x1xf32>
    %broadcast_in_dim3A_173 = vector.broadcast %broadcast_in_dim3A_172 : vector<17x1xf32> to vector<17x9216xf32>
    %broadcast_in_dim3A_174 = vector.broadcast %jit3A_171 : f32 to vector<17x9216xf32>
    %select_n3A_175 = arith.select %eq3A_170, %broadcast_in_dim3A_173, %broadcast_in_dim3A_174 : vector<17x9216xi1>, vector<17x9216xf32>
    %add3A_176 = arith.addf %add3A_126, %select_n3A_175 : vector<17x9216xf32>
    %add3A_177 = arith.constant 1.000000e+00 : f32
    %add3A_178 = vector.broadcast %add3A_177 : f32 to vector<17x1xf32>
    %add3A_179 = arith.addf %floor3A, %add3A_178 : vector<17x1xf32>
    %add3A_180 = arith.constant 1.000000e+00 : f32
    %add3A_181 = vector.broadcast %add3A_180 : f32 to vector<17x1xf32>
    %add3A_182 = arith.addf %floor3A_26, %add3A_181 : vector<17x1xf32>
    %ge3A_183 = arith.constant 0.000000e+00 : f32
    %ge3A_184 = vector.broadcast %ge3A_183 : f32 to vector<17x1xf32>
    %ge3A_185 = arith.cmpf oge, %add3A_179, %ge3A_184 : vector<17x1xf32>
    %le3A_186 = arith.constant 9.500000e+01 : f32
    %le3A_187 = vector.broadcast %le3A_186 : f32 to vector<17x1xf32>
    %le3A_188 = arith.cmpf ole, %add3A_179, %le3A_187 : vector<17x1xf32>
    %and3A_189 = arith.andi %ge3A_185, %le3A_188 : vector<17x1xi1>
    %ge3A_190 = arith.constant 0.000000e+00 : f32
    %ge3A_191 = vector.broadcast %ge3A_190 : f32 to vector<17x1xf32>
    %ge3A_192 = arith.cmpf oge, %add3A_182, %ge3A_191 : vector<17x1xf32>
    %and3A_193 = arith.andi %and3A_189, %ge3A_192 : vector<17x1xi1>
    %le3A_194 = arith.constant 9.500000e+01 : f32
    %le3A_195 = vector.broadcast %le3A_194 : f32 to vector<17x1xf32>
    %le3A_196 = arith.cmpf ole, %add3A_182, %le3A_195 : vector<17x1xf32>
    %and3A_197 = arith.andi %and3A_193, %le3A_196 : vector<17x1xi1>
    %jit3A_198 = arith.constant 0.000000e+00 : f32
    %jit3A_199 = arith.constant 9.500000e+01 : f32
    %max3A_200 = vector.broadcast %jit3A_198 : f32 to vector<17x1xf32>
    %max3A_201 = arith.maximumf %max3A_200, %add3A_179 : vector<17x1xf32>
    %min3A_202 = vector.broadcast %jit3A_199 : f32 to vector<17x1xf32>
    %min3A_203 = arith.minimumf %min3A_202, %max3A_201 : vector<17x1xf32>
    %jit3A_204 = arith.constant 0.000000e+00 : f32
    %jit3A_205 = arith.constant 9.500000e+01 : f32
    %max3A_206 = vector.broadcast %jit3A_204 : f32 to vector<17x1xf32>
    %max3A_207 = arith.maximumf %max3A_206, %add3A_182 : vector<17x1xf32>
    %min3A_208 = vector.broadcast %jit3A_205 : f32 to vector<17x1xf32>
    %min3A_209 = arith.minimumf %min3A_208, %max3A_207 : vector<17x1xf32>
    %mul3A_210 = arith.constant 9.600000e+01 : f32
    %mul3A_211 = vector.broadcast %mul3A_210 : f32 to vector<17x1xf32>
    %mul3A_212 = arith.mulf %min3A_209, %mul3A_211 : vector<17x1xf32>
    %add3A_213 = arith.addf %mul3A_212, %min3A_203 : vector<17x1xf32>
    %convert_element_type3A_214 = arith.fptosi %add3A_213 : vector<17x1xf32> to vector<17x1xi32>
    %mul3A_215 = arith.mulf %sub3A_27, %sub3A_31 : vector<17x1xf32>
    %convert_element_type3A_216 = arith.extui %and3A_197 : vector<17x1xi1> to vector<17x1xi32>
    %convert_element_type3A_217 = arith.sitofp %convert_element_type3A_216 : vector<17x1xi32> to vector<17x1xf32>
    %mul3A_218 = arith.mulf %mul3A_215, %convert_element_type3A_217 : vector<17x1xf32>
    %eq3A_219 = vector.broadcast %convert_element_type3A_214 : vector<17x1xi32> to vector<17x9216xi32>
    %eq3A_220 = arith.cmpi eq, %iota3A, %eq3A_219 : vector<17x9216xi32>
    %jit3A_221 = arith.constant 0.000000e+00 : f32
    %broadcast_in_dim3A_222 = vector.shape_cast %mul3A_218 : vector<17x1xf32> to vector<17x1xf32>
    %broadcast_in_dim3A_223 = vector.broadcast %broadcast_in_dim3A_222 : vector<17x1xf32> to vector<17x9216xf32>
    %broadcast_in_dim3A_224 = vector.broadcast %jit3A_221 : f32 to vector<17x9216xf32>
    %select_n3A_225 = arith.select %eq3A_220, %broadcast_in_dim3A_223, %broadcast_in_dim3A_224 : vector<17x9216xi1>, vector<17x9216xf32>
    %add3A_226 = arith.addf %add3A_176, %select_n3A_225 : vector<17x9216xf32>
    %get3A_227 = arith.constant 0 : index
    %get3A_228 = arith.constant 0 : index
    %get3A_229 = arith.constant 0 : index
    %get3A_230 = vector.load %arg1[%get3A_227, %get3A_228, %get3A_229] : memref<1x96x9216xf32, #tpu.memory_space<vmem>>, vector<1x96x9216xf32>
    %get3A_231 = vector.shape_cast %get3A_230 : vector<1x96x9216xf32> to vector<96x9216xf32>
    %get3A_232 = arith.constant 0 : index
    %get3A_233 = arith.constant 0 : index
    %get3A_234 = arith.constant 0 : index
    %get3A_235 = vector.load %arg2[%get3A_232, %get3A_233, %get3A_234] : memref<1x96x9216xf32, #tpu.memory_space<vmem>>, vector<1x96x9216xf32>
    %get3A_236 = vector.shape_cast %get3A_235 : vector<1x96x9216xf32> to vector<96x9216xf32>
    %broadcast_in_dim3A_237 = arith.constant 0.000000e+00 : f32
    %broadcast_in_dim3A_238 = vector.broadcast %broadcast_in_dim3A_237 : f32 to vector<17x96xf32>
    %broadcast_in_dim3A_239 = arith.constant 0.000000e+00 : f32
    %broadcast_in_dim3A_240 = vector.broadcast %broadcast_in_dim3A_239 : f32 to vector<17x96xf32>
    %slice3A_241 = vector.extract_strided_slice %add3A_226 {offsets = [0, 0], sizes = [17, 768], strides = [1, 1]} : vector<17x9216xf32> to vector<17x768xf32>
    %slice3A_242 = vector.extract_strided_slice %get3A_231 {offsets = [0, 0], sizes = [96, 768], strides = [1, 1]} : vector<96x9216xf32> to vector<96x768xf32>
    %transpose3A = tpu.transpose %slice3A_242, [1, 0] : vector<96x768xf32> -> vector<768x96xf32>
    %dot_general3A = arith.constant dense<0.000000e+00> : vector<17x96xf32>
    %dot_general3A_243 = tpu.matmul %slice3A_241, %transpose3A, %dot_general3A {dimension_numbers = #tpu.dot_dimension_numbers<[1], [0], [0], [1], [0, 0, 1, 1], [], []>, transpose_lhs_hint = false} : vector<17x768xf32>, vector<768x96xf32>, vector<17x96xf32> -> vector<17x96xf32>
    %add3A_244 = arith.addf %broadcast_in_dim3A_238, %dot_general3A_243 : vector<17x96xf32>
    %slice3A_245 = vector.extract_strided_slice %add3A_226 {offsets = [0, 0], sizes = [17, 768], strides = [1, 1]} : vector<17x9216xf32> to vector<17x768xf32>
    %slice3A_246 = vector.extract_strided_slice %get3A_236 {offsets = [0, 0], sizes = [96, 768], strides = [1, 1]} : vector<96x9216xf32> to vector<96x768xf32>
    %transpose3A_247 = tpu.transpose %slice3A_246, [1, 0] : vector<96x768xf32> -> vector<768x96xf32>
    %dot_general3A_248 = arith.constant dense<0.000000e+00> : vector<17x96xf32>
    %dot_general3A_249 = tpu.matmul %slice3A_245, %transpose3A_247, %dot_general3A_248 {dimension_numbers = #tpu.dot_dimension_numbers<[1], [0], [0], [1], [0, 0, 1, 1], [], []>, transpose_lhs_hint = false} : vector<17x768xf32>, vector<768x96xf32>, vector<17x96xf32> -> vector<17x96xf32>
    %add3A_250 = arith.addf %broadcast_in_dim3A_240, %dot_general3A_249 : vector<17x96xf32>
    %slice3A_251 = vector.extract_strided_slice %get3A_231 {offsets = [0, 0], sizes = [96, 768], strides = [1, 1]} : vector<96x9216xf32> to vector<96x768xf32>
    %convert_element_type3A_252 = arith.truncf %slice3A_251 : vector<96x768xf32> to vector<96x768xbf16>
    %bitcast_convert_type3A = tpu.bitcast %convert_element_type3A_252 : vector<96x768xbf16> -> vector<96x768xi16>
    %convert_element_type3A_253 = arith.extui %bitcast_convert_type3A : vector<96x768xi16> to vector<96x768xi32>
    %slice3A_254 = vector.extract_strided_slice %get3A_236 {offsets = [0, 0], sizes = [96, 768], strides = [1, 1]} : vector<96x9216xf32> to vector<96x768xf32>
    %convert_element_type3A_255 = arith.truncf %slice3A_254 : vector<96x768xf32> to vector<96x768xbf16>
    %bitcast_convert_type3A_256 = tpu.bitcast %convert_element_type3A_255 : vector<96x768xbf16> -> vector<96x768xi16>
    %convert_element_type3A_257 = arith.extui %bitcast_convert_type3A_256 : vector<96x768xi16> to vector<96x768xi32>
    %shift_left3A = arith.constant 16 : i32
    %shift_left3A_258 = vector.broadcast %shift_left3A : i32 to vector<96x768xi32>
    %shift_left3A_259 = arith.shli %convert_element_type3A_257, %shift_left3A_258 : vector<96x768xi32>
    %or3A = arith.ori %convert_element_type3A_253, %shift_left3A_259 : vector<96x768xi32>
    %bitcast_convert_type3A_260 = tpu.bitcast %or3A : vector<96x768xi32> -> vector<96x768xi32>
    %transpose3A_261 = tpu.transpose %bitcast_convert_type3A_260, [1, 0] : vector<96x768xi32> -> vector<768x96xi32>
    %swap3A = arith.constant 0 : index
    %swap3A_262 = arith.constant 0 : index
    %swap3A_263 = arith.constant 0 : index
    %swap3A_264 = vector.load %arg7[%swap3A, %swap3A_262, %swap3A_263] : memref<1x9216x128xi32, #tpu.memory_space<vmem>>, vector<1x768x96xi32>
    %swap3A_265 = vector.shape_cast %swap3A_264 : vector<1x768x96xi32> to vector<768x96xi32>
    %swap3A_266 = vector.shape_cast %transpose3A_261 : vector<768x96xi32> to vector<1x768x96xi32>
    tpu.vector_store %arg7[%swap3A, %swap3A_262, %swap3A_263], %swap3A_266 {strides = array<i32>} : memref<1x9216x128xi32, #tpu.memory_space<vmem>>, vector<1x768x96xi32>,
    %slice3A_267 = vector.extract_strided_slice %add3A_226 {offsets = [0, 768], sizes = [17, 768], strides = [1, 1]} : vector<17x9216xf32> to vector<17x768xf32>
    %slice3A_268 = vector.extract_strided_slice %get3A_231 {offsets = [0, 768], sizes = [96, 768], strides = [1, 1]} : vector<96x9216xf32> to vector<96x768xf32>
    %transpose3A_269 = tpu.transpose %slice3A_268, [1, 0] : vector<96x768xf32> -> vector<768x96xf32>
    %dot_general3A_270 = arith.constant dense<0.000000e+00> : vector<17x96xf32>
    %dot_general3A_271 = tpu.matmul %slice3A_267, %transpose3A_269, %dot_general3A_270 {dimension_numbers = #tpu.dot_dimension_numbers<[1], [0], [0], [1], [0, 0, 1, 1], [], []>, transpose_lhs_hint = false} : vector<17x768xf32>, vector<768x96xf32>, vector<17x96xf32> -> vector<17x96xf32>
    %add3A_272 = arith.addf %add3A_244, %dot_general3A_271 : vector<17x96xf32>
    %slice3A_273 = vector.extract_strided_slice %add3A_226 {offsets = [0, 768], sizes = [17, 768], strides = [1, 1]} : vector<17x9216xf32> to vector<17x768xf32>
    %slice3A_274 = vector.extract_strided_slice %get3A_236 {offsets = [0, 768], sizes = [96, 768], strides = [1, 1]} : vector<96x9216xf32> to vector<96x768xf32>
    %transpose3A_275 = tpu.transpose %slice3A_274, [1, 0] : vector<96x768xf32> -> vector<768x96xf32>
    %dot_general3A_276 = arith.constant dense<0.000000e+00> : vector<17x96xf32>
    %dot_general3A_277 = tpu.matmul %slice3A_273, %transpose3A_275, %dot_general3A_276 {dimension_numbers = #tpu.dot_dimension_numbers<[1], [0], [0], [1], [0, 0, 1, 1], [], []>, transpose_lhs_hint = false} : vector<17x768xf32>, vector<768x96xf32>, vector<17x96xf32> -> vector<17x96xf32>
    %add3A_278 = arith.addf %add3A_250, %dot_general3A_277 : vector<17x96xf32>
    %slice3A_279 = vector.extract_strided_slice %get3A_231 {offsets = [0, 768], sizes = [96, 768], strides = [1, 1]} : vector<96x9216xf32> to vector<96x768xf32>
    %convert_element_type3A_280 = arith.truncf %slice3A_279 : vector<96x768xf32> to vector<96x768xbf16>
    %bitcast_convert_type3A_281 = tpu.bitcast %convert_element_type3A_280 : vector<96x768xbf16> -> vector<96x768xi16>
    %convert_element_type3A_282 = arith.extui %bitcast_convert_type3A_281 : vector<96x768xi16> to vector<96x768xi32>
    %slice3A_283 = vector.extract_strided_slice %get3A_236 {offsets = [0, 768], sizes = [96, 768], strides = [1, 1]} : vector<96x9216xf32> to vector<96x768xf32>
    %convert_element_type3A_284 = arith.truncf %slice3A_283 : vector<96x768xf32> to vector<96x768xbf16>
    %bitcast_convert_type3A_285 = tpu.bitcast %convert_element_type3A_284 : vector<96x768xbf16> -> vector<96x768xi16>
    %convert_element_type3A_286 = arith.extui %bitcast_convert_type3A_285 : vector<96x768xi16> to vector<96x768xi32>
    %shift_left3A_287 = arith.constant 16 : i32
    %shift_left3A_288 = vector.broadcast %shift_left3A_287 : i32 to vector<96x768xi32>
    %shift_left3A_289 = arith.shli %convert_element_type3A_286, %shift_left3A_288 : vector<96x768xi32>
    %or3A_290 = arith.ori %convert_element_type3A_282, %shift_left3A_289 : vector<96x768xi32>
    %bitcast_convert_type3A_291 = tpu.bitcast %or3A_290 : vector<96x768xi32> -> vector<96x768xi32>
    %transpose3A_292 = tpu.transpose %bitcast_convert_type3A_291, [1, 0] : vector<96x768xi32> -> vector<768x96xi32>
    %swap3A_293 = arith.constant 0 : index
    %swap3A_294 = arith.constant 768 : index
    %swap3A_295 = arith.constant 0 : index
    %swap3A_296 = vector.load %arg7[%swap3A_293, %swap3A_294, %swap3A_295] : memref<1x9216x128xi32, #tpu.memory_space<vmem>>, vector<1x768x96xi32>
    %swap3A_297 = vector.shape_cast %swap3A_296 : vector<1x768x96xi32> to vector<768x96xi32>
    %swap3A_298 = vector.shape_cast %transpose3A_292 : vector<768x96xi32> to vector<1x768x96xi32>
    tpu.vector_store %arg7[%swap3A_293, %swap3A_294, %swap3A_295], %swap3A_298 {strides = array<i32>} : memref<1x9216x128xi32, #tpu.memory_space<vmem>>, vector<1x768x96xi32>,
    %slice3A_299 = vector.extract_strided_slice %add3A_226 {offsets = [0, 1536], sizes = [17, 768], strides = [1, 1]} : vector<17x9216xf32> to vector<17x768xf32>
    %slice3A_300 = vector.extract_strided_slice %get3A_231 {offsets = [0, 1536], sizes = [96, 768], strides = [1, 1]} : vector<96x9216xf32> to vector<96x768xf32>
    %transpose3A_301 = tpu.transpose %slice3A_300, [1, 0] : vector<96x768xf32> -> vector<768x96xf32>
    %dot_general3A_302 = arith.constant dense<0.000000e+00> : vector<17x96xf32>
    %dot_general3A_303 = tpu.matmul %slice3A_299, %transpose3A_301, %dot_general3A_302 {dimension_numbers = #tpu.dot_dimension_numbers<[1], [0], [0], [1], [0, 0, 1, 1], [], []>, transpose_lhs_hint = false} : vector<17x768xf32>, vector<768x96xf32>, vector<17x96xf32> -> vector<17x96xf32>
    %add3A_304 = arith.addf %add3A_272, %dot_general3A_303 : vector<17x96xf32>
    %slice3A_305 = vector.extract_strided_slice %add3A_226 {offsets = [0, 1536], sizes = [17, 768], strides = [1, 1]} : vector<17x9216xf32> to vector<17x768xf32>
    %slice3A_306 = vector.extract_strided_slice %get3A_236 {offsets = [0, 1536], sizes = [96, 768], strides = [1, 1]} : vector<96x9216xf32> to vector<96x768xf32>
    %transpose3A_307 = tpu.transpose %slice3A_306, [1, 0] : vector<96x768xf32> -> vector<768x96xf32>
    %dot_general3A_308 = arith.constant dense<0.000000e+00> : vector<17x96xf32>
    %dot_general3A_309 = tpu.matmul %slice3A_305, %transpose3A_307, %dot_general3A_308 {dimension_numbers = #tpu.dot_dimension_numbers<[1], [0], [0], [1], [0, 0, 1, 1], [], []>, transpose_lhs_hint = false} : vector<17x768xf32>, vector<768x96xf32>, vector<17x96xf32> -> vector<17x96xf32>
    %add3A_310 = arith.addf %add3A_278, %dot_general3A_309 : vector<17x96xf32>
    %slice3A_311 = vector.extract_strided_slice %get3A_231 {offsets = [0, 1536], sizes = [96, 768], strides = [1, 1]} : vector<96x9216xf32> to vector<96x768xf32>
    %convert_element_type3A_312 = arith.truncf %slice3A_311 : vector<96x768xf32> to vector<96x768xbf16>
    %bitcast_convert_type3A_313 = tpu.bitcast %convert_element_type3A_312 : vector<96x768xbf16> -> vector<96x768xi16>
    %convert_element_type3A_314 = arith.extui %bitcast_convert_type3A_313 : vector<96x768xi16> to vector<96x768xi32>
    %slice3A_315 = vector.extract_strided_slice %get3A_236 {offsets = [0, 1536], sizes = [96, 768], strides = [1, 1]} : vector<96x9216xf32> to vector<96x768xf32>
    %convert_element_type3A_316 = arith.truncf %slice3A_315 : vector<96x768xf32> to vector<96x768xbf16>
    %bitcast_convert_type3A_317 = tpu.bitcast %convert_element_type3A_316 : vector<96x768xbf16> -> vector<96x768xi16>
    %convert_element_type3A_318 = arith.extui %bitcast_convert_type3A_317 : vector<96x768xi16> to vector<96x768xi32>
    %shift_left3A_319 = arith.constant 16 : i32
    %shift_left3A_320 = vector.broadcast %shift_left3A_319 : i32 to vector<96x768xi32>
    %shift_left3A_321 = arith.shli %convert_element_type3A_318, %shift_left3A_320 : vector<96x768xi32>
    %or3A_322 = arith.ori %convert_element_type3A_314, %shift_left3A_321 : vector<96x768xi32>
    %bitcast_convert_type3A_323 = tpu.bitcast %or3A_322 : vector<96x768xi32> -> vector<96x768xi32>
    %transpose3A_324 = tpu.transpose %bitcast_convert_type3A_323, [1, 0] : vector<96x768xi32> -> vector<768x96xi32>
    %swap3A_325 = arith.constant 0 : index
    %swap3A_326 = arith.constant 1536 : index
    %swap3A_327 = arith.constant 0 : index
    %swap3A_328 = vector.load %arg7[%swap3A_325, %swap3A_326, %swap3A_327] : memref<1x9216x128xi32, #tpu.memory_space<vmem>>, vector<1x768x96xi32>
    %swap3A_329 = vector.shape_cast %swap3A_328 : vector<1x768x96xi32> to vector<768x96xi32>
    %swap3A_330 = vector.shape_cast %transpose3A_324 : vector<768x96xi32> to vector<1x768x96xi32>
    tpu.vector_store %arg7[%swap3A_325, %swap3A_326, %swap3A_327], %swap3A_330 {strides = array<i32>} : memref<1x9216x128xi32, #tpu.memory_space<vmem>>, vector<1x768x96xi32>,
    %slice3A_331 = vector.extract_strided_slice %add3A_226 {offsets = [0, 2304], sizes = [17, 768], strides = [1, 1]} : vector<17x9216xf32> to vector<17x768xf32>
    %slice3A_332 = vector.extract_strided_slice %get3A_231 {offsets = [0, 2304], sizes = [96, 768], strides = [1, 1]} : vector<96x9216xf32> to vector<96x768xf32>
    %transpose3A_333 = tpu.transpose %slice3A_332, [1, 0] : vector<96x768xf32> -> vector<768x96xf32>
    %dot_general3A_334 = arith.constant dense<0.000000e+00> : vector<17x96xf32>
    %dot_general3A_335 = tpu.matmul %slice3A_331, %transpose3A_333, %dot_general3A_334 {dimension_numbers = #tpu.dot_dimension_numbers<[1], [0], [0], [1], [0, 0, 1, 1], [], []>, transpose_lhs_hint = false} : vector<17x768xf32>, vector<768x96xf32>, vector<17x96xf32> -> vector<17x96xf32>
    %add3A_336 = arith.addf %add3A_304, %dot_general3A_335 : vector<17x96xf32>
    %slice3A_337 = vector.extract_strided_slice %add3A_226 {offsets = [0, 2304], sizes = [17, 768], strides = [1, 1]} : vector<17x9216xf32> to vector<17x768xf32>
    %slice3A_338 = vector.extract_strided_slice %get3A_236 {offsets = [0, 2304], sizes = [96, 768], strides = [1, 1]} : vector<96x9216xf32> to vector<96x768xf32>
    %transpose3A_339 = tpu.transpose %slice3A_338, [1, 0] : vector<96x768xf32> -> vector<768x96xf32>
    %dot_general3A_340 = arith.constant dense<0.000000e+00> : vector<17x96xf32>
    %dot_general3A_341 = tpu.matmul %slice3A_337, %transpose3A_339, %dot_general3A_340 {dimension_numbers = #tpu.dot_dimension_numbers<[1], [0], [0], [1], [0, 0, 1, 1], [], []>, transpose_lhs_hint = false} : vector<17x768xf32>, vector<768x96xf32>, vector<17x96xf32> -> vector<17x96xf32>
    %add3A_342 = arith.addf %add3A_310, %dot_general3A_341 : vector<17x96xf32>
    %slice3A_343 = vector.extract_strided_slice %get3A_231 {offsets = [0, 2304], sizes = [96, 768], strides = [1, 1]} : vector<96x9216xf32> to vector<96x768xf32>
    %convert_element_type3A_344 = arith.truncf %slice3A_343 : vector<96x768xf32> to vector<96x768xbf16>
    %bitcast_convert_type3A_345 = tpu.bitcast %convert_element_type3A_344 : vector<96x768xbf16> -> vector<96x768xi16>
    %convert_element_type3A_346 = arith.extui %bitcast_convert_type3A_345 : vector<96x768xi16> to vector<96x768xi32>
    %slice3A_347 = vector.extract_strided_slice %get3A_236 {offsets = [0, 2304], sizes = [96, 768], strides = [1, 1]} : vector<96x9216xf32> to vector<96x768xf32>
    %convert_element_type3A_348 = arith.truncf %slice3A_347 : vector<96x768xf32> to vector<96x768xbf16>
    %bitcast_convert_type3A_349 = tpu.bitcast %convert_element_type3A_348 : vector<96x768xbf16> -> vector<96x768xi16>
    %convert_element_type3A_350 = arith.extui %bitcast_convert_type3A_349 : vector<96x768xi16> to vector<96x768xi32>
    %shift_left3A_351 = arith.constant 16 : i32
    %shift_left3A_352 = vector.broadcast %shift_left3A_351 : i32 to vector<96x768xi32>
    %shift_left3A_353 = arith.shli %convert_element_type3A_350, %shift_left3A_352 : vector<96x768xi32>
    %or3A_354 = arith.ori %convert_element_type3A_346, %shift_left3A_353 : vector<96x768xi32>
    %bitcast_convert_type3A_355 = tpu.bitcast %or3A_354 : vector<96x768xi32> -> vector<96x768xi32>
    %transpose3A_356 = tpu.transpose %bitcast_convert_type3A_355, [1, 0] : vector<96x768xi32> -> vector<768x96xi32>
    %swap3A_357 = arith.constant 0 : index
    %swap3A_358 = arith.constant 2304 : index
    %swap3A_359 = arith.constant 0 : index
    %swap3A_360 = vector.load %arg7[%swap3A_357, %swap3A_358, %swap3A_359] : memref<1x9216x128xi32, #tpu.memory_space<vmem>>, vector<1x768x96xi32>
    %swap3A_361 = vector.shape_cast %swap3A_360 : vector<1x768x96xi32> to vector<768x96xi32>
    %swap3A_362 = vector.shape_cast %transpose3A_356 : vector<768x96xi32> to vector<1x768x96xi32>
    tpu.vector_store %arg7[%swap3A_357, %swap3A_358, %swap3A_359], %swap3A_362 {strides = array<i32>} : memref<1x9216x128xi32, #tpu.memory_space<vmem>>, vector<1x768x96xi32>,
    %slice3A_363 = vector.extract_strided_slice %add3A_226 {offsets = [0, 3072], sizes = [17, 768], strides = [1, 1]} : vector<17x9216xf32> to vector<17x768xf32>
    %slice3A_364 = vector.extract_strided_slice %get3A_231 {offsets = [0, 3072], sizes = [96, 768], strides = [1, 1]} : vector<96x9216xf32> to vector<96x768xf32>
    %transpose3A_365 = tpu.transpose %slice3A_364, [1, 0] : vector<96x768xf32> -> vector<768x96xf32>
    %dot_general3A_366 = arith.constant dense<0.000000e+00> : vector<17x96xf32>
    %dot_general3A_367 = tpu.matmul %slice3A_363, %transpose3A_365, %dot_general3A_366 {dimension_numbers = #tpu.dot_dimension_numbers<[1], [0], [0], [1], [0, 0, 1, 1], [], []>, transpose_lhs_hint = false} : vector<17x768xf32>, vector<768x96xf32>, vector<17x96xf32> -> vector<17x96xf32>
    %add3A_368 = arith.addf %add3A_336, %dot_general3A_367 : vector<17x96xf32>
    %slice3A_369 = vector.extract_strided_slice %add3A_226 {offsets = [0, 3072], sizes = [17, 768], strides = [1, 1]} : vector<17x9216xf32> to vector<17x768xf32>
    %slice3A_370 = vector.extract_strided_slice %get3A_236 {offsets = [0, 3072], sizes = [96, 768], strides = [1, 1]} : vector<96x9216xf32> to vector<96x768xf32>
    %transpose3A_371 = tpu.transpose %slice3A_370, [1, 0] : vector<96x768xf32> -> vector<768x96xf32>
    %dot_general3A_372 = arith.constant dense<0.000000e+00> : vector<17x96xf32>
    %dot_general3A_373 = tpu.matmul %slice3A_369, %transpose3A_371, %dot_general3A_372 {dimension_numbers = #tpu.dot_dimension_numbers<[1], [0], [0], [1], [0, 0, 1, 1], [], []>, transpose_lhs_hint = false} : vector<17x768xf32>, vector<768x96xf32>, vector<17x96xf32> -> vector<17x96xf32>
    %add3A_374 = arith.addf %add3A_342, %dot_general3A_373 : vector<17x96xf32>
    %slice3A_375 = vector.extract_strided_slice %get3A_231 {offsets = [0, 3072], sizes = [96, 768], strides = [1, 1]} : vector<96x9216xf32> to vector<96x768xf32>
    %convert_element_type3A_376 = arith.truncf %slice3A_375 : vector<96x768xf32> to vector<96x768xbf16>
    %bitcast_convert_type3A_377 = tpu.bitcast %convert_element_type3A_376 : vector<96x768xbf16> -> vector<96x768xi16>
    %convert_element_type3A_378 = arith.extui %bitcast_convert_type3A_377 : vector<96x768xi16> to vector<96x768xi32>
    %slice3A_379 = vector.extract_strided_slice %get3A_236 {offsets = [0, 3072], sizes = [96, 768], strides = [1, 1]} : vector<96x9216xf32> to vector<96x768xf32>
    %convert_element_type3A_380 = arith.truncf %slice3A_379 : vector<96x768xf32> to vector<96x768xbf16>
    %bitcast_convert_type3A_381 = tpu.bitcast %convert_element_type3A_380 : vector<96x768xbf16> -> vector<96x768xi16>
    %convert_element_type3A_382 = arith.extui %bitcast_convert_type3A_381 : vector<96x768xi16> to vector<96x768xi32>
    %shift_left3A_383 = arith.constant 16 : i32
    %shift_left3A_384 = vector.broadcast %shift_left3A_383 : i32 to vector<96x768xi32>
    %shift_left3A_385 = arith.shli %convert_element_type3A_382, %shift_left3A_384 : vector<96x768xi32>
    %or3A_386 = arith.ori %convert_element_type3A_378, %shift_left3A_385 : vector<96x768xi32>
    %bitcast_convert_type3A_387 = tpu.bitcast %or3A_386 : vector<96x768xi32> -> vector<96x768xi32>
    %transpose3A_388 = tpu.transpose %bitcast_convert_type3A_387, [1, 0] : vector<96x768xi32> -> vector<768x96xi32>
    %swap3A_389 = arith.constant 0 : index
    %swap3A_390 = arith.constant 3072 : index
    %swap3A_391 = arith.constant 0 : index
    %swap3A_392 = vector.load %arg7[%swap3A_389, %swap3A_390, %swap3A_391] : memref<1x9216x128xi32, #tpu.memory_space<vmem>>, vector<1x768x96xi32>
    %swap3A_393 = vector.shape_cast %swap3A_392 : vector<1x768x96xi32> to vector<768x96xi32>
    %swap3A_394 = vector.shape_cast %transpose3A_388 : vector<768x96xi32> to vector<1x768x96xi32>
    tpu.vector_store %arg7[%swap3A_389, %swap3A_390, %swap3A_391], %swap3A_394 {strides = array<i32>} : memref<1x9216x128xi32, #tpu.memory_space<vmem>>, vector<1x768x96xi32>,
    %slice3A_395 = vector.extract_strided_slice %add3A_226 {offsets = [0, 3840], sizes = [17, 768], strides = [1, 1]} : vector<17x9216xf32> to vector<17x768xf32>
    %slice3A_396 = vector.extract_strided_slice %get3A_231 {offsets = [0, 3840], sizes = [96, 768], strides = [1, 1]} : vector<96x9216xf32> to vector<96x768xf32>
    %transpose3A_397 = tpu.transpose %slice3A_396, [1, 0] : vector<96x768xf32> -> vector<768x96xf32>
    %dot_general3A_398 = arith.constant dense<0.000000e+00> : vector<17x96xf32>
    %dot_general3A_399 = tpu.matmul %slice3A_395, %transpose3A_397, %dot_general3A_398 {dimension_numbers = #tpu.dot_dimension_numbers<[1], [0], [0], [1], [0, 0, 1, 1], [], []>, transpose_lhs_hint = false} : vector<17x768xf32>, vector<768x96xf32>, vector<17x96xf32> -> vector<17x96xf32>
    %add3A_400 = arith.addf %add3A_368, %dot_general3A_399 : vector<17x96xf32>
    %slice3A_401 = vector.extract_strided_slice %add3A_226 {offsets = [0, 3840], sizes = [17, 768], strides = [1, 1]} : vector<17x9216xf32> to vector<17x768xf32>
    %slice3A_402 = vector.extract_strided_slice %get3A_236 {offsets = [0, 3840], sizes = [96, 768], strides = [1, 1]} : vector<96x9216xf32> to vector<96x768xf32>
    %transpose3A_403 = tpu.transpose %slice3A_402, [1, 0] : vector<96x768xf32> -> vector<768x96xf32>
    %dot_general3A_404 = arith.constant dense<0.000000e+00> : vector<17x96xf32>
    %dot_general3A_405 = tpu.matmul %slice3A_401, %transpose3A_403, %dot_general3A_404 {dimension_numbers = #tpu.dot_dimension_numbers<[1], [0], [0], [1], [0, 0, 1, 1], [], []>, transpose_lhs_hint = false} : vector<17x768xf32>, vector<768x96xf32>, vector<17x96xf32> -> vector<17x96xf32>
    %add3A_406 = arith.addf %add3A_374, %dot_general3A_405 : vector<17x96xf32>
    %slice3A_407 = vector.extract_strided_slice %get3A_231 {offsets = [0, 3840], sizes = [96, 768], strides = [1, 1]} : vector<96x9216xf32> to vector<96x768xf32>
    %convert_element_type3A_408 = arith.truncf %slice3A_407 : vector<96x768xf32> to vector<96x768xbf16>
    %bitcast_convert_type3A_409 = tpu.bitcast %convert_element_type3A_408 : vector<96x768xbf16> -> vector<96x768xi16>
    %convert_element_type3A_410 = arith.extui %bitcast_convert_type3A_409 : vector<96x768xi16> to vector<96x768xi32>
    %slice3A_411 = vector.extract_strided_slice %get3A_236 {offsets = [0, 3840], sizes = [96, 768], strides = [1, 1]} : vector<96x9216xf32> to vector<96x768xf32>
    %convert_element_type3A_412 = arith.truncf %slice3A_411 : vector<96x768xf32> to vector<96x768xbf16>
    %bitcast_convert_type3A_413 = tpu.bitcast %convert_element_type3A_412 : vector<96x768xbf16> -> vector<96x768xi16>
    %convert_element_type3A_414 = arith.extui %bitcast_convert_type3A_413 : vector<96x768xi16> to vector<96x768xi32>
    %shift_left3A_415 = arith.constant 16 : i32
    %shift_left3A_416 = vector.broadcast %shift_left3A_415 : i32 to vector<96x768xi32>
    %shift_left3A_417 = arith.shli %convert_element_type3A_414, %shift_left3A_416 : vector<96x768xi32>
    %or3A_418 = arith.ori %convert_element_type3A_410, %shift_left3A_417 : vector<96x768xi32>
    %bitcast_convert_type3A_419 = tpu.bitcast %or3A_418 : vector<96x768xi32> -> vector<96x768xi32>
    %transpose3A_420 = tpu.transpose %bitcast_convert_type3A_419, [1, 0] : vector<96x768xi32> -> vector<768x96xi32>
    %swap3A_421 = arith.constant 0 : index
    %swap3A_422 = arith.constant 3840 : index
    %swap3A_423 = arith.constant 0 : index
    %swap3A_424 = vector.load %arg7[%swap3A_421, %swap3A_422, %swap3A_423] : memref<1x9216x128xi32, #tpu.memory_space<vmem>>, vector<1x768x96xi32>
    %swap3A_425 = vector.shape_cast %swap3A_424 : vector<1x768x96xi32> to vector<768x96xi32>
    %swap3A_426 = vector.shape_cast %transpose3A_420 : vector<768x96xi32> to vector<1x768x96xi32>
    tpu.vector_store %arg7[%swap3A_421, %swap3A_422, %swap3A_423], %swap3A_426 {strides = array<i32>} : memref<1x9216x128xi32, #tpu.memory_space<vmem>>, vector<1x768x96xi32>,
    %slice3A_427 = vector.extract_strided_slice %add3A_226 {offsets = [0, 4608], sizes = [17, 768], strides = [1, 1]} : vector<17x9216xf32> to vector<17x768xf32>
    %slice3A_428 = vector.extract_strided_slice %get3A_231 {offsets = [0, 4608], sizes = [96, 768], strides = [1, 1]} : vector<96x9216xf32> to vector<96x768xf32>
    %transpose3A_429 = tpu.transpose %slice3A_428, [1, 0] : vector<96x768xf32> -> vector<768x96xf32>
    %dot_general3A_430 = arith.constant dense<0.000000e+00> : vector<17x96xf32>
    %dot_general3A_431 = tpu.matmul %slice3A_427, %transpose3A_429, %dot_general3A_430 {dimension_numbers = #tpu.dot_dimension_numbers<[1], [0], [0], [1], [0, 0, 1, 1], [], []>, transpose_lhs_hint = false} : vector<17x768xf32>, vector<768x96xf32>, vector<17x96xf32> -> vector<17x96xf32>
    %add3A_432 = arith.addf %add3A_400, %dot_general3A_431 : vector<17x96xf32>
    %slice3A_433 = vector.extract_strided_slice %add3A_226 {offsets = [0, 4608], sizes = [17, 768], strides = [1, 1]} : vector<17x9216xf32> to vector<17x768xf32>
    %slice3A_434 = vector.extract_strided_slice %get3A_236 {offsets = [0, 4608], sizes = [96, 768], strides = [1, 1]} : vector<96x9216xf32> to vector<96x768xf32>
    %transpose3A_435 = tpu.transpose %slice3A_434, [1, 0] : vector<96x768xf32> -> vector<768x96xf32>
    %dot_general3A_436 = arith.constant dense<0.000000e+00> : vector<17x96xf32>
    %dot_general3A_437 = tpu.matmul %slice3A_433, %transpose3A_435, %dot_general3A_436 {dimension_numbers = #tpu.dot_dimension_numbers<[1], [0], [0], [1], [0, 0, 1, 1], [], []>, transpose_lhs_hint = false} : vector<17x768xf32>, vector<768x96xf32>, vector<17x96xf32> -> vector<17x96xf32>
    %add3A_438 = arith.addf %add3A_406, %dot_general3A_437 : vector<17x96xf32>
    %slice3A_439 = vector.extract_strided_slice %get3A_231 {offsets = [0, 4608], sizes = [96, 768], strides = [1, 1]} : vector<96x9216xf32> to vector<96x768xf32>
    %convert_element_type3A_440 = arith.truncf %slice3A_439 : vector<96x768xf32> to vector<96x768xbf16>
    %bitcast_convert_type3A_441 = tpu.bitcast %convert_element_type3A_440 : vector<96x768xbf16> -> vector<96x768xi16>
    %convert_element_type3A_442 = arith.extui %bitcast_convert_type3A_441 : vector<96x768xi16> to vector<96x768xi32>
    %slice3A_443 = vector.extract_strided_slice %get3A_236 {offsets = [0, 4608], sizes = [96, 768], strides = [1, 1]} : vector<96x9216xf32> to vector<96x768xf32>
    %convert_element_type3A_444 = arith.truncf %slice3A_443 : vector<96x768xf32> to vector<96x768xbf16>
    %bitcast_convert_type3A_445 = tpu.bitcast %convert_element_type3A_444 : vector<96x768xbf16> -> vector<96x768xi16>
    %convert_element_type3A_446 = arith.extui %bitcast_convert_type3A_445 : vector<96x768xi16> to vector<96x768xi32>
    %shift_left3A_447 = arith.constant 16 : i32
    %shift_left3A_448 = vector.broadcast %shift_left3A_447 : i32 to vector<96x768xi32>
    %shift_left3A_449 = arith.shli %convert_element_type3A_446, %shift_left3A_448 : vector<96x768xi32>
    %or3A_450 = arith.ori %convert_element_type3A_442, %shift_left3A_449 : vector<96x768xi32>
    %bitcast_convert_type3A_451 = tpu.bitcast %or3A_450 : vector<96x768xi32> -> vector<96x768xi32>
    %transpose3A_452 = tpu.transpose %bitcast_convert_type3A_451, [1, 0] : vector<96x768xi32> -> vector<768x96xi32>
    %swap3A_453 = arith.constant 0 : index
    %swap3A_454 = arith.constant 4608 : index
    %swap3A_455 = arith.constant 0 : index
    %swap3A_456 = vector.load %arg7[%swap3A_453, %swap3A_454, %swap3A_455] : memref<1x9216x128xi32, #tpu.memory_space<vmem>>, vector<1x768x96xi32>
    %swap3A_457 = vector.shape_cast %swap3A_456 : vector<1x768x96xi32> to vector<768x96xi32>
    %swap3A_458 = vector.shape_cast %transpose3A_452 : vector<768x96xi32> to vector<1x768x96xi32>
    tpu.vector_store %arg7[%swap3A_453, %swap3A_454, %swap3A_455], %swap3A_458 {strides = array<i32>} : memref<1x9216x128xi32, #tpu.memory_space<vmem>>, vector<1x768x96xi32>,
    %slice3A_459 = vector.extract_strided_slice %add3A_226 {offsets = [0, 5376], sizes = [17, 768], strides = [1, 1]} : vector<17x9216xf32> to vector<17x768xf32>
    %slice3A_460 = vector.extract_strided_slice %get3A_231 {offsets = [0, 5376], sizes = [96, 768], strides = [1, 1]} : vector<96x9216xf32> to vector<96x768xf32>
    %transpose3A_461 = tpu.transpose %slice3A_460, [1, 0] : vector<96x768xf32> -> vector<768x96xf32>
    %dot_general3A_462 = arith.constant dense<0.000000e+00> : vector<17x96xf32>
    %dot_general3A_463 = tpu.matmul %slice3A_459, %transpose3A_461, %dot_general3A_462 {dimension_numbers = #tpu.dot_dimension_numbers<[1], [0], [0], [1], [0, 0, 1, 1], [], []>, transpose_lhs_hint = false} : vector<17x768xf32>, vector<768x96xf32>, vector<17x96xf32> -> vector<17x96xf32>
    %add3A_464 = arith.addf %add3A_432, %dot_general3A_463 : vector<17x96xf32>
    %slice3A_465 = vector.extract_strided_slice %add3A_226 {offsets = [0, 5376], sizes = [17, 768], strides = [1, 1]} : vector<17x9216xf32> to vector<17x768xf32>
    %slice3A_466 = vector.extract_strided_slice %get3A_236 {offsets = [0, 5376], sizes = [96, 768], strides = [1, 1]} : vector<96x9216xf32> to vector<96x768xf32>
    %transpose3A_467 = tpu.transpose %slice3A_466, [1, 0] : vector<96x768xf32> -> vector<768x96xf32>
    %dot_general3A_468 = arith.constant dense<0.000000e+00> : vector<17x96xf32>
    %dot_general3A_469 = tpu.matmul %slice3A_465, %transpose3A_467, %dot_general3A_468 {dimension_numbers = #tpu.dot_dimension_numbers<[1], [0], [0], [1], [0, 0, 1, 1], [], []>, transpose_lhs_hint = false} : vector<17x768xf32>, vector<768x96xf32>, vector<17x96xf32> -> vector<17x96xf32>
    %add3A_470 = arith.addf %add3A_438, %dot_general3A_469 : vector<17x96xf32>
    %slice3A_471 = vector.extract_strided_slice %get3A_231 {offsets = [0, 5376], sizes = [96, 768], strides = [1, 1]} : vector<96x9216xf32> to vector<96x768xf32>
    %convert_element_type3A_472 = arith.truncf %slice3A_471 : vector<96x768xf32> to vector<96x768xbf16>
    %bitcast_convert_type3A_473 = tpu.bitcast %convert_element_type3A_472 : vector<96x768xbf16> -> vector<96x768xi16>
    %convert_element_type3A_474 = arith.extui %bitcast_convert_type3A_473 : vector<96x768xi16> to vector<96x768xi32>
    %slice3A_475 = vector.extract_strided_slice %get3A_236 {offsets = [0, 5376], sizes = [96, 768], strides = [1, 1]} : vector<96x9216xf32> to vector<96x768xf32>
    %convert_element_type3A_476 = arith.truncf %slice3A_475 : vector<96x768xf32> to vector<96x768xbf16>
    %bitcast_convert_type3A_477 = tpu.bitcast %convert_element_type3A_476 : vector<96x768xbf16> -> vector<96x768xi16>
    %convert_element_type3A_478 = arith.extui %bitcast_convert_type3A_477 : vector<96x768xi16> to vector<96x768xi32>
    %shift_left3A_479 = arith.constant 16 : i32
    %shift_left3A_480 = vector.broadcast %shift_left3A_479 : i32 to vector<96x768xi32>
    %shift_left3A_481 = arith.shli %convert_element_type3A_478, %shift_left3A_480 : vector<96x768xi32>
    %or3A_482 = arith.ori %convert_element_type3A_474, %shift_left3A_481 : vector<96x768xi32>
    %bitcast_convert_type3A_483 = tpu.bitcast %or3A_482 : vector<96x768xi32> -> vector<96x768xi32>
    %transpose3A_484 = tpu.transpose %bitcast_convert_type3A_483, [1, 0] : vector<96x768xi32> -> vector<768x96xi32>
    %swap3A_485 = arith.constant 0 : index
    %swap3A_486 = arith.constant 5376 : index
    %swap3A_487 = arith.constant 0 : index
    %swap3A_488 = vector.load %arg7[%swap3A_485, %swap3A_486, %swap3A_487] : memref<1x9216x128xi32, #tpu.memory_space<vmem>>, vector<1x768x96xi32>
    %swap3A_489 = vector.shape_cast %swap3A_488 : vector<1x768x96xi32> to vector<768x96xi32>
    %swap3A_490 = vector.shape_cast %transpose3A_484 : vector<768x96xi32> to vector<1x768x96xi32>
    tpu.vector_store %arg7[%swap3A_485, %swap3A_486, %swap3A_487], %swap3A_490 {strides = array<i32>} : memref<1x9216x128xi32, #tpu.memory_space<vmem>>, vector<1x768x96xi32>,
    %slice3A_491 = vector.extract_strided_slice %add3A_226 {offsets = [0, 6144], sizes = [17, 768], strides = [1, 1]} : vector<17x9216xf32> to vector<17x768xf32>
    %slice3A_492 = vector.extract_strided_slice %get3A_231 {offsets = [0, 6144], sizes = [96, 768], strides = [1, 1]} : vector<96x9216xf32> to vector<96x768xf32>
    %transpose3A_493 = tpu.transpose %slice3A_492, [1, 0] : vector<96x768xf32> -> vector<768x96xf32>
    %dot_general3A_494 = arith.constant dense<0.000000e+00> : vector<17x96xf32>
    %dot_general3A_495 = tpu.matmul %slice3A_491, %transpose3A_493, %dot_general3A_494 {dimension_numbers = #tpu.dot_dimension_numbers<[1], [0], [0], [1], [0, 0, 1, 1], [], []>, transpose_lhs_hint = false} : vector<17x768xf32>, vector<768x96xf32>, vector<17x96xf32> -> vector<17x96xf32>
    %add3A_496 = arith.addf %add3A_464, %dot_general3A_495 : vector<17x96xf32>
    %slice3A_497 = vector.extract_strided_slice %add3A_226 {offsets = [0, 6144], sizes = [17, 768], strides = [1, 1]} : vector<17x9216xf32> to vector<17x768xf32>
    %slice3A_498 = vector.extract_strided_slice %get3A_236 {offsets = [0, 6144], sizes = [96, 768], strides = [1, 1]} : vector<96x9216xf32> to vector<96x768xf32>
    %transpose3A_499 = tpu.transpose %slice3A_498, [1, 0] : vector<96x768xf32> -> vector<768x96xf32>
    %dot_general3A_500 = arith.constant dense<0.000000e+00> : vector<17x96xf32>
    %dot_general3A_501 = tpu.matmul %slice3A_497, %transpose3A_499, %dot_general3A_500 {dimension_numbers = #tpu.dot_dimension_numbers<[1], [0], [0], [1], [0, 0, 1, 1], [], []>, transpose_lhs_hint = false} : vector<17x768xf32>, vector<768x96xf32>, vector<17x96xf32> -> vector<17x96xf32>
    %add3A_502 = arith.addf %add3A_470, %dot_general3A_501 : vector<17x96xf32>
    %slice3A_503 = vector.extract_strided_slice %get3A_231 {offsets = [0, 6144], sizes = [96, 768], strides = [1, 1]} : vector<96x9216xf32> to vector<96x768xf32>
    %convert_element_type3A_504 = arith.truncf %slice3A_503 : vector<96x768xf32> to vector<96x768xbf16>
    %bitcast_convert_type3A_505 = tpu.bitcast %convert_element_type3A_504 : vector<96x768xbf16> -> vector<96x768xi16>
    %convert_element_type3A_506 = arith.extui %bitcast_convert_type3A_505 : vector<96x768xi16> to vector<96x768xi32>
    %slice3A_507 = vector.extract_strided_slice %get3A_236 {offsets = [0, 6144], sizes = [96, 768], strides = [1, 1]} : vector<96x9216xf32> to vector<96x768xf32>
    %convert_element_type3A_508 = arith.truncf %slice3A_507 : vector<96x768xf32> to vector<96x768xbf16>
    %bitcast_convert_type3A_509 = tpu.bitcast %convert_element_type3A_508 : vector<96x768xbf16> -> vector<96x768xi16>
    %convert_element_type3A_510 = arith.extui %bitcast_convert_type3A_509 : vector<96x768xi16> to vector<96x768xi32>
    %shift_left3A_511 = arith.constant 16 : i32
    %shift_left3A_512 = vector.broadcast %shift_left3A_511 : i32 to vector<96x768xi32>
    %shift_left3A_513 = arith.shli %convert_element_type3A_510, %shift_left3A_512 : vector<96x768xi32>
    %or3A_514 = arith.ori %convert_element_type3A_506, %shift_left3A_513 : vector<96x768xi32>
    %bitcast_convert_type3A_515 = tpu.bitcast %or3A_514 : vector<96x768xi32> -> vector<96x768xi32>
    %transpose3A_516 = tpu.transpose %bitcast_convert_type3A_515, [1, 0] : vector<96x768xi32> -> vector<768x96xi32>
    %swap3A_517 = arith.constant 0 : index
    %swap3A_518 = arith.constant 6144 : index
    %swap3A_519 = arith.constant 0 : index
    %swap3A_520 = vector.load %arg7[%swap3A_517, %swap3A_518, %swap3A_519] : memref<1x9216x128xi32, #tpu.memory_space<vmem>>, vector<1x768x96xi32>
    %swap3A_521 = vector.shape_cast %swap3A_520 : vector<1x768x96xi32> to vector<768x96xi32>
    %swap3A_522 = vector.shape_cast %transpose3A_516 : vector<768x96xi32> to vector<1x768x96xi32>
    tpu.vector_store %arg7[%swap3A_517, %swap3A_518, %swap3A_519], %swap3A_522 {strides = array<i32>} : memref<1x9216x128xi32, #tpu.memory_space<vmem>>, vector<1x768x96xi32>,
    %slice3A_523 = vector.extract_strided_slice %add3A_226 {offsets = [0, 6912], sizes = [17, 768], strides = [1, 1]} : vector<17x9216xf32> to vector<17x768xf32>
    %slice3A_524 = vector.extract_strided_slice %get3A_231 {offsets = [0, 6912], sizes = [96, 768], strides = [1, 1]} : vector<96x9216xf32> to vector<96x768xf32>
    %transpose3A_525 = tpu.transpose %slice3A_524, [1, 0] : vector<96x768xf32> -> vector<768x96xf32>
    %dot_general3A_526 = arith.constant dense<0.000000e+00> : vector<17x96xf32>
    %dot_general3A_527 = tpu.matmul %slice3A_523, %transpose3A_525, %dot_general3A_526 {dimension_numbers = #tpu.dot_dimension_numbers<[1], [0], [0], [1], [0, 0, 1, 1], [], []>, transpose_lhs_hint = false} : vector<17x768xf32>, vector<768x96xf32>, vector<17x96xf32> -> vector<17x96xf32>
    %add3A_528 = arith.addf %add3A_496, %dot_general3A_527 : vector<17x96xf32>
    %slice3A_529 = vector.extract_strided_slice %add3A_226 {offsets = [0, 6912], sizes = [17, 768], strides = [1, 1]} : vector<17x9216xf32> to vector<17x768xf32>
    %slice3A_530 = vector.extract_strided_slice %get3A_236 {offsets = [0, 6912], sizes = [96, 768], strides = [1, 1]} : vector<96x9216xf32> to vector<96x768xf32>
    %transpose3A_531 = tpu.transpose %slice3A_530, [1, 0] : vector<96x768xf32> -> vector<768x96xf32>
    %dot_general3A_532 = arith.constant dense<0.000000e+00> : vector<17x96xf32>
    %dot_general3A_533 = tpu.matmul %slice3A_529, %transpose3A_531, %dot_general3A_532 {dimension_numbers = #tpu.dot_dimension_numbers<[1], [0], [0], [1], [0, 0, 1, 1], [], []>, transpose_lhs_hint = false} : vector<17x768xf32>, vector<768x96xf32>, vector<17x96xf32> -> vector<17x96xf32>
    %add3A_534 = arith.addf %add3A_502, %dot_general3A_533 : vector<17x96xf32>
    %slice3A_535 = vector.extract_strided_slice %get3A_231 {offsets = [0, 6912], sizes = [96, 768], strides = [1, 1]} : vector<96x9216xf32> to vector<96x768xf32>
    %convert_element_type3A_536 = arith.truncf %slice3A_535 : vector<96x768xf32> to vector<96x768xbf16>
    %bitcast_convert_type3A_537 = tpu.bitcast %convert_element_type3A_536 : vector<96x768xbf16> -> vector<96x768xi16>
    %convert_element_type3A_538 = arith.extui %bitcast_convert_type3A_537 : vector<96x768xi16> to vector<96x768xi32>
    %slice3A_539 = vector.extract_strided_slice %get3A_236 {offsets = [0, 6912], sizes = [96, 768], strides = [1, 1]} : vector<96x9216xf32> to vector<96x768xf32>
    %convert_element_type3A_540 = arith.truncf %slice3A_539 : vector<96x768xf32> to vector<96x768xbf16>
    %bitcast_convert_type3A_541 = tpu.bitcast %convert_element_type3A_540 : vector<96x768xbf16> -> vector<96x768xi16>
    %convert_element_type3A_542 = arith.extui %bitcast_convert_type3A_541 : vector<96x768xi16> to vector<96x768xi32>
    %shift_left3A_543 = arith.constant 16 : i32
    %shift_left3A_544 = vector.broadcast %shift_left3A_543 : i32 to vector<96x768xi32>
    %shift_left3A_545 = arith.shli %convert_element_type3A_542, %shift_left3A_544 : vector<96x768xi32>
    %or3A_546 = arith.ori %convert_element_type3A_538, %shift_left3A_545 : vector<96x768xi32>
    %bitcast_convert_type3A_547 = tpu.bitcast %or3A_546 : vector<96x768xi32> -> vector<96x768xi32>
    %transpose3A_548 = tpu.transpose %bitcast_convert_type3A_547, [1, 0] : vector<96x768xi32> -> vector<768x96xi32>
    %swap3A_549 = arith.constant 0 : index
    %swap3A_550 = arith.constant 6912 : index
    %swap3A_551 = arith.constant 0 : index
    %swap3A_552 = vector.load %arg7[%swap3A_549, %swap3A_550, %swap3A_551] : memref<1x9216x128xi32, #tpu.memory_space<vmem>>, vector<1x768x96xi32>
    %swap3A_553 = vector.shape_cast %swap3A_552 : vector<1x768x96xi32> to vector<768x96xi32>
    %swap3A_554 = vector.shape_cast %transpose3A_548 : vector<768x96xi32> to vector<1x768x96xi32>
    tpu.vector_store %arg7[%swap3A_549, %swap3A_550, %swap3A_551], %swap3A_554 {strides = array<i32>} : memref<1x9216x128xi32, #tpu.memory_space<vmem>>, vector<1x768x96xi32>,
    %slice3A_555 = vector.extract_strided_slice %add3A_226 {offsets = [0, 7680], sizes = [17, 768], strides = [1, 1]} : vector<17x9216xf32> to vector<17x768xf32>
    %slice3A_556 = vector.extract_strided_slice %get3A_231 {offsets = [0, 7680], sizes = [96, 768], strides = [1, 1]} : vector<96x9216xf32> to vector<96x768xf32>
    %transpose3A_557 = tpu.transpose %slice3A_556, [1, 0] : vector<96x768xf32> -> vector<768x96xf32>
    %dot_general3A_558 = arith.constant dense<0.000000e+00> : vector<17x96xf32>
    %dot_general3A_559 = tpu.matmul %slice3A_555, %transpose3A_557, %dot_general3A_558 {dimension_numbers = #tpu.dot_dimension_numbers<[1], [0], [0], [1], [0, 0, 1, 1], [], []>, transpose_lhs_hint = false} : vector<17x768xf32>, vector<768x96xf32>, vector<17x96xf32> -> vector<17x96xf32>
    %add3A_560 = arith.addf %add3A_528, %dot_general3A_559 : vector<17x96xf32>
    %slice3A_561 = vector.extract_strided_slice %add3A_226 {offsets = [0, 7680], sizes = [17, 768], strides = [1, 1]} : vector<17x9216xf32> to vector<17x768xf32>
    %slice3A_562 = vector.extract_strided_slice %get3A_236 {offsets = [0, 7680], sizes = [96, 768], strides = [1, 1]} : vector<96x9216xf32> to vector<96x768xf32>
    %transpose3A_563 = tpu.transpose %slice3A_562, [1, 0] : vector<96x768xf32> -> vector<768x96xf32>
    %dot_general3A_564 = arith.constant dense<0.000000e+00> : vector<17x96xf32>
    %dot_general3A_565 = tpu.matmul %slice3A_561, %transpose3A_563, %dot_general3A_564 {dimension_numbers = #tpu.dot_dimension_numbers<[1], [0], [0], [1], [0, 0, 1, 1], [], []>, transpose_lhs_hint = false} : vector<17x768xf32>, vector<768x96xf32>, vector<17x96xf32> -> vector<17x96xf32>
    %add3A_566 = arith.addf %add3A_534, %dot_general3A_565 : vector<17x96xf32>
    %slice3A_567 = vector.extract_strided_slice %get3A_231 {offsets = [0, 7680], sizes = [96, 768], strides = [1, 1]} : vector<96x9216xf32> to vector<96x768xf32>
    %convert_element_type3A_568 = arith.truncf %slice3A_567 : vector<96x768xf32> to vector<96x768xbf16>
    %bitcast_convert_type3A_569 = tpu.bitcast %convert_element_type3A_568 : vector<96x768xbf16> -> vector<96x768xi16>
    %convert_element_type3A_570 = arith.extui %bitcast_convert_type3A_569 : vector<96x768xi16> to vector<96x768xi32>
    %slice3A_571 = vector.extract_strided_slice %get3A_236 {offsets = [0, 7680], sizes = [96, 768], strides = [1, 1]} : vector<96x9216xf32> to vector<96x768xf32>
    %convert_element_type3A_572 = arith.truncf %slice3A_571 : vector<96x768xf32> to vector<96x768xbf16>
    %bitcast_convert_type3A_573 = tpu.bitcast %convert_element_type3A_572 : vector<96x768xbf16> -> vector<96x768xi16>
    %convert_element_type3A_574 = arith.extui %bitcast_convert_type3A_573 : vector<96x768xi16> to vector<96x768xi32>
    %shift_left3A_575 = arith.constant 16 : i32
    %shift_left3A_576 = vector.broadcast %shift_left3A_575 : i32 to vector<96x768xi32>
    %shift_left3A_577 = arith.shli %convert_element_type3A_574, %shift_left3A_576 : vector<96x768xi32>
    %or3A_578 = arith.ori %convert_element_type3A_570, %shift_left3A_577 : vector<96x768xi32>
    %bitcast_convert_type3A_579 = tpu.bitcast %or3A_578 : vector<96x768xi32> -> vector<96x768xi32>
    %transpose3A_580 = tpu.transpose %bitcast_convert_type3A_579, [1, 0] : vector<96x768xi32> -> vector<768x96xi32>
    %swap3A_581 = arith.constant 0 : index
    %swap3A_582 = arith.constant 7680 : index
    %swap3A_583 = arith.constant 0 : index
    %swap3A_584 = vector.load %arg7[%swap3A_581, %swap3A_582, %swap3A_583] : memref<1x9216x128xi32, #tpu.memory_space<vmem>>, vector<1x768x96xi32>
    %swap3A_585 = vector.shape_cast %swap3A_584 : vector<1x768x96xi32> to vector<768x96xi32>
    %swap3A_586 = vector.shape_cast %transpose3A_580 : vector<768x96xi32> to vector<1x768x96xi32>
    tpu.vector_store %arg7[%swap3A_581, %swap3A_582, %swap3A_583], %swap3A_586 {strides = array<i32>} : memref<1x9216x128xi32, #tpu.memory_space<vmem>>, vector<1x768x96xi32>,
    %slice3A_587 = vector.extract_strided_slice %add3A_226 {offsets = [0, 8448], sizes = [17, 768], strides = [1, 1]} : vector<17x9216xf32> to vector<17x768xf32>
    %slice3A_588 = vector.extract_strided_slice %get3A_231 {offsets = [0, 8448], sizes = [96, 768], strides = [1, 1]} : vector<96x9216xf32> to vector<96x768xf32>
    %transpose3A_589 = tpu.transpose %slice3A_588, [1, 0] : vector<96x768xf32> -> vector<768x96xf32>
    %dot_general3A_590 = arith.constant dense<0.000000e+00> : vector<17x96xf32>
    %dot_general3A_591 = tpu.matmul %slice3A_587, %transpose3A_589, %dot_general3A_590 {dimension_numbers = #tpu.dot_dimension_numbers<[1], [0], [0], [1], [0, 0, 1, 1], [], []>, transpose_lhs_hint = false} : vector<17x768xf32>, vector<768x96xf32>, vector<17x96xf32> -> vector<17x96xf32>
    %add3A_592 = arith.addf %add3A_560, %dot_general3A_591 : vector<17x96xf32>
    %slice3A_593 = vector.extract_strided_slice %add3A_226 {offsets = [0, 8448], sizes = [17, 768], strides = [1, 1]} : vector<17x9216xf32> to vector<17x768xf32>
    %slice3A_594 = vector.extract_strided_slice %get3A_236 {offsets = [0, 8448], sizes = [96, 768], strides = [1, 1]} : vector<96x9216xf32> to vector<96x768xf32>
    %transpose3A_595 = tpu.transpose %slice3A_594, [1, 0] : vector<96x768xf32> -> vector<768x96xf32>
    %dot_general3A_596 = arith.constant dense<0.000000e+00> : vector<17x96xf32>
    %dot_general3A_597 = tpu.matmul %slice3A_593, %transpose3A_595, %dot_general3A_596 {dimension_numbers = #tpu.dot_dimension_numbers<[1], [0], [0], [1], [0, 0, 1, 1], [], []>, transpose_lhs_hint = false} : vector<17x768xf32>, vector<768x96xf32>, vector<17x96xf32> -> vector<17x96xf32>
    %add3A_598 = arith.addf %add3A_566, %dot_general3A_597 : vector<17x96xf32>
    %slice3A_599 = vector.extract_strided_slice %get3A_231 {offsets = [0, 8448], sizes = [96, 768], strides = [1, 1]} : vector<96x9216xf32> to vector<96x768xf32>
    %convert_element_type3A_600 = arith.truncf %slice3A_599 : vector<96x768xf32> to vector<96x768xbf16>
    %bitcast_convert_type3A_601 = tpu.bitcast %convert_element_type3A_600 : vector<96x768xbf16> -> vector<96x768xi16>
    %convert_element_type3A_602 = arith.extui %bitcast_convert_type3A_601 : vector<96x768xi16> to vector<96x768xi32>
    %slice3A_603 = vector.extract_strided_slice %get3A_236 {offsets = [0, 8448], sizes = [96, 768], strides = [1, 1]} : vector<96x9216xf32> to vector<96x768xf32>
    %convert_element_type3A_604 = arith.truncf %slice3A_603 : vector<96x768xf32> to vector<96x768xbf16>
    %bitcast_convert_type3A_605 = tpu.bitcast %convert_element_type3A_604 : vector<96x768xbf16> -> vector<96x768xi16>
    %convert_element_type3A_606 = arith.extui %bitcast_convert_type3A_605 : vector<96x768xi16> to vector<96x768xi32>
    %shift_left3A_607 = arith.constant 16 : i32
    %shift_left3A_608 = vector.broadcast %shift_left3A_607 : i32 to vector<96x768xi32>
    %shift_left3A_609 = arith.shli %convert_element_type3A_606, %shift_left3A_608 : vector<96x768xi32>
    %or3A_610 = arith.ori %convert_element_type3A_602, %shift_left3A_609 : vector<96x768xi32>
    %bitcast_convert_type3A_611 = tpu.bitcast %or3A_610 : vector<96x768xi32> -> vector<96x768xi32>
    %transpose3A_612 = tpu.transpose %bitcast_convert_type3A_611, [1, 0] : vector<96x768xi32> -> vector<768x96xi32>
    %swap3A_613 = arith.constant 0 : index
    %swap3A_614 = arith.constant 8448 : index
    %swap3A_615 = arith.constant 0 : index
    %swap3A_616 = vector.load %arg7[%swap3A_613, %swap3A_614, %swap3A_615] : memref<1x9216x128xi32, #tpu.memory_space<vmem>>, vector<1x768x96xi32>
    %swap3A_617 = vector.shape_cast %swap3A_616 : vector<1x768x96xi32> to vector<768x96xi32>
    %swap3A_618 = vector.shape_cast %transpose3A_612 : vector<768x96xi32> to vector<1x768x96xi32>
    tpu.vector_store %arg7[%swap3A_613, %swap3A_614, %swap3A_615], %swap3A_618 {strides = array<i32>} : memref<1x9216x128xi32, #tpu.memory_space<vmem>>, vector<1x768x96xi32>,
    %broadcast_in_dim3A_619 = arith.constant 0 : i32
    %broadcast_in_dim3A_620 = vector.broadcast %broadcast_in_dim3A_619 : i32 to vector<9216x32xi32>
    %swap3A_621 = arith.constant 0 : index
    %swap3A_622 = arith.constant 0 : index
    %swap3A_623 = arith.constant 96 : index
    %swap3A_624 = vector.load %arg7[%swap3A_621, %swap3A_622, %swap3A_623] : memref<1x9216x128xi32, #tpu.memory_space<vmem>>, vector<1x9216x32xi32>
    %swap3A_625 = vector.shape_cast %swap3A_624 : vector<1x9216x32xi32> to vector<9216x32xi32>
    %swap3A_626 = vector.shape_cast %broadcast_in_dim3A_620 : vector<9216x32xi32> to vector<1x9216x32xi32>
    tpu.vector_store %arg7[%swap3A_621, %swap3A_622, %swap3A_623], %swap3A_626 {strides = array<i32>} : memref<1x9216x128xi32, #tpu.memory_space<vmem>>, vector<1x9216x32xi32>,
    %get3A_627 = arith.constant 0 : index
    %get3A_628 = arith.constant 0 : index
    %get3A_629 = vector.load %arg4[%get3A_627, %get3A_628] : memref<192x64xf32, #tpu.memory_space<vmem>>, vector<96x32xf32>
    %dot_general3A_630 = arith.constant dense<0.000000e+00> : vector<17x32xf32>
    %dot_general3A_631 = tpu.matmul %add3A_592, %get3A_629, %dot_general3A_630 {dimension_numbers = #tpu.dot_dimension_numbers<[1], [0], [0], [1], [0, 0, 1, 1], [], []>, transpose_lhs_hint = false} : vector<17x96xf32>, vector<96x32xf32>, vector<17x32xf32> -> vector<17x32xf32>
    %get3A_632 = arith.constant 96 : index
    %get3A_633 = arith.constant 0 : index
    %get3A_634 = vector.load %arg4[%get3A_632, %get3A_633] : memref<192x64xf32, #tpu.memory_space<vmem>>, vector<96x32xf32>
    %dot_general3A_635 = arith.constant dense<0.000000e+00> : vector<17x32xf32>
    %dot_general3A_636 = tpu.matmul %add3A_598, %get3A_634, %dot_general3A_635 {dimension_numbers = #tpu.dot_dimension_numbers<[1], [0], [0], [1], [0, 0, 1, 1], [], []>, transpose_lhs_hint = false} : vector<17x96xf32>, vector<96x32xf32>, vector<17x32xf32> -> vector<17x32xf32>
    %add3A_637 = arith.addf %dot_general3A_631, %dot_general3A_636 : vector<17x32xf32>
    %get3A_638 = arith.constant 0 : index
    %get3A_639 = arith.constant 0 : index
    %get3A_640 = vector.load %arg6[%get3A_638, %get3A_639] : memref<3x32xf32, #tpu.memory_space<vmem>>, vector<1x32xf32>
    %add3A_641 = vector.broadcast %get3A_640 : vector<1x32xf32> to vector<17x32xf32>
    %add3A_642 = arith.addf %add3A_637, %add3A_641 : vector<17x32xf32>
    %get3A_643 = arith.constant 0 : index
    %get3A_644 = arith.constant 32 : index
    %get3A_645 = vector.load %arg4[%get3A_643, %get3A_644] : memref<192x64xf32, #tpu.memory_space<vmem>>, vector<96x32xf32>
    %dot_general3A_646 = arith.constant dense<0.000000e+00> : vector<17x32xf32>
    %dot_general3A_647 = tpu.matmul %add3A_592, %get3A_645, %dot_general3A_646 {dimension_numbers = #tpu.dot_dimension_numbers<[1], [0], [0], [1], [0, 0, 1, 1], [], []>, transpose_lhs_hint = false} : vector<17x96xf32>, vector<96x32xf32>, vector<17x32xf32> -> vector<17x32xf32>
    %get3A_648 = arith.constant 96 : index
    %get3A_649 = arith.constant 32 : index
    %get3A_650 = vector.load %arg4[%get3A_648, %get3A_649] : memref<192x64xf32, #tpu.memory_space<vmem>>, vector<96x32xf32>
    %dot_general3A_651 = arith.constant dense<0.000000e+00> : vector<17x32xf32>
    %dot_general3A_652 = tpu.matmul %add3A_598, %get3A_650, %dot_general3A_651 {dimension_numbers = #tpu.dot_dimension_numbers<[1], [0], [0], [1], [0, 0, 1, 1], [], []>, transpose_lhs_hint = false} : vector<17x96xf32>, vector<96x32xf32>, vector<17x32xf32> -> vector<17x32xf32>
    %add3A_653 = arith.addf %dot_general3A_647, %dot_general3A_652 : vector<17x32xf32>
    %get3A_654 = arith.constant 1 : index
    %get3A_655 = arith.constant 0 : index
    %get3A_656 = vector.load %arg6[%get3A_654, %get3A_655] : memref<3x32xf32, #tpu.memory_space<vmem>>, vector<1x32xf32>
    %add3A_657 = vector.broadcast %get3A_656 : vector<1x32xf32> to vector<17x32xf32>
    %add3A_658 = arith.addf %add3A_653, %add3A_657 : vector<17x32xf32>
    %get3A_659 = arith.constant 0 : index
    %get3A_660 = arith.constant 0 : index
    %get3A_661 = vector.load %arg5[%get3A_659, %get3A_660] : memref<192x32xf32, #tpu.memory_space<vmem>>, vector<96x32xf32>
    %dot_general3A_662 = arith.constant dense<0.000000e+00> : vector<17x32xf32>
    %dot_general3A_663 = tpu.matmul %add3A_592, %get3A_661, %dot_general3A_662 {dimension_numbers = #tpu.dot_dimension_numbers<[1], [0], [0], [1], [0, 0, 1, 1], [], []>, transpose_lhs_hint = false} : vector<17x96xf32>, vector<96x32xf32>, vector<17x32xf32> -> vector<17x32xf32>
    %get3A_664 = arith.constant 96 : index
    %get3A_665 = arith.constant 0 : index
    %get3A_666 = vector.load %arg5[%get3A_664, %get3A_665] : memref<192x32xf32, #tpu.memory_space<vmem>>, vector<96x32xf32>
    %dot_general3A_667 = arith.constant dense<0.000000e+00> : vector<17x32xf32>
    %dot_general3A_668 = tpu.matmul %add3A_598, %get3A_666, %dot_general3A_667 {dimension_numbers = #tpu.dot_dimension_numbers<[1], [0], [0], [1], [0, 0, 1, 1], [], []>, transpose_lhs_hint = false} : vector<17x96xf32>, vector<96x32xf32>, vector<17x32xf32> -> vector<17x32xf32>
    %add3A_669 = arith.addf %dot_general3A_663, %dot_general3A_668 : vector<17x32xf32>
    %get3A_670 = arith.constant 2 : index
    %get3A_671 = arith.constant 0 : index
    %get3A_672 = vector.load %arg6[%get3A_670, %get3A_671] : memref<3x32xf32, #tpu.memory_space<vmem>>, vector<1x32xf32>
    %add3A_673 = vector.broadcast %get3A_672 : vector<1x32xf32> to vector<17x32xf32>
    %add3A_674 = arith.addf %add3A_669, %add3A_673 : vector<17x32xf32>
    %reduce_max3A = arith.constant dense<0xFF800000> : vector<17xf32>
    %reduce_max3A_675 = vector.multi_reduction <maximumf>, %add3A_674, %reduce_max3A [1] : vector<17x32xf32> to vector<17xf32>
    %broadcast_in_dim3A_676 = vector.shape_cast %reduce_max3A_675 : vector<17xf32> to vector<17x1xf32>
    %sub3A_677 = vector.broadcast %broadcast_in_dim3A_676 : vector<17x1xf32> to vector<17x32xf32>
    %sub3A_678 = arith.subf %add3A_674, %sub3A_677 : vector<17x32xf32>
    %exp3A = math.exp %sub3A_678 : vector<17x32xf32>
    %reduce_sum3A = arith.constant dense<0.000000e+00> : vector<17xf32>
    %reduce_sum3A_679 = vector.multi_reduction <add>, %exp3A, %reduce_sum3A [1] : vector<17x32xf32> to vector<17xf32>
    %broadcast_in_dim3A_680 = vector.shape_cast %reduce_sum3A_679 : vector<17xf32> to vector<17x1xf32>
    %div3A = vector.broadcast %broadcast_in_dim3A_680 : vector<17x1xf32> to vector<17x32xf32>
    %div3A_681 = arith.divf %exp3A, %div3A : vector<17x32xf32>
    %add3A_682 = vector.broadcast %slice3A : vector<17x1xf32> to vector<17x32xf32>
    %add3A_683 = arith.addf %add3A_682, %add3A_642 : vector<17x32xf32>
    %jit3A_684 = arith.constant -1.000000e+00 : f32
    %jit3A_685 = arith.constant 1.000000e+00 : f32
    %max3A_686 = vector.broadcast %jit3A_684 : f32 to vector<17x32xf32>
    %max3A_687 = arith.maximumf %max3A_686, %add3A_683 : vector<17x32xf32>
    %min3A_688 = vector.broadcast %jit3A_685 : f32 to vector<17x32xf32>
    %min3A_689 = arith.minimumf %min3A_688, %max3A_687 : vector<17x32xf32>
    %add3A_690 = vector.broadcast %slice3A_4 : vector<17x1xf32> to vector<17x32xf32>
    %add3A_691 = arith.addf %add3A_690, %add3A_658 : vector<17x32xf32>
    %jit3A_692 = arith.constant -1.000000e+00 : f32
    %jit3A_693 = arith.constant 1.000000e+00 : f32
    %max3A_694 = vector.broadcast %jit3A_692 : f32 to vector<17x32xf32>
    %max3A_695 = arith.maximumf %max3A_694, %add3A_691 : vector<17x32xf32>
    %min3A_696 = vector.broadcast %jit3A_693 : f32 to vector<17x32xf32>
    %min3A_697 = arith.minimumf %min3A_696, %max3A_695 : vector<17x32xf32>
    %add3A_698 = arith.constant 1.000000e+00 : f32
    %add3A_699 = vector.broadcast %add3A_698 : f32 to vector<17x32xf32>
    %add3A_700 = arith.addf %min3A_689, %add3A_699 : vector<17x32xf32>
    %mul3A_701 = arith.constant 9.600000e+01 : f32
    %mul3A_702 = vector.broadcast %mul3A_701 : f32 to vector<17x32xf32>
    %mul3A_703 = arith.mulf %add3A_700, %mul3A_702 : vector<17x32xf32>
    %sub3A_704 = arith.constant 1.000000e+00 : f32
    %sub3A_705 = vector.broadcast %sub3A_704 : f32 to vector<17x32xf32>
    %sub3A_706 = arith.subf %mul3A_703, %sub3A_705 : vector<17x32xf32>
    %mul3A_707 = arith.constant 5.000000e-01 : f32
    %mul3A_708 = vector.broadcast %mul3A_707 : f32 to vector<17x32xf32>
    %mul3A_709 = arith.mulf %sub3A_706, %mul3A_708 : vector<17x32xf32>
    %add3A_710 = arith.constant 1.000000e+00 : f32
    %add3A_711 = vector.broadcast %add3A_710 : f32 to vector<17x32xf32>
    %add3A_712 = arith.addf %min3A_697, %add3A_711 : vector<17x32xf32>
    %mul3A_713 = arith.constant 9.600000e+01 : f32
    %mul3A_714 = vector.broadcast %mul3A_713 : f32 to vector<17x32xf32>
    %mul3A_715 = arith.mulf %add3A_712, %mul3A_714 : vector<17x32xf32>
    %sub3A_716 = arith.constant 1.000000e+00 : f32
    %sub3A_717 = vector.broadcast %sub3A_716 : f32 to vector<17x32xf32>
    %sub3A_718 = arith.subf %mul3A_715, %sub3A_717 : vector<17x32xf32>
    %mul3A_719 = arith.constant 5.000000e-01 : f32
    %mul3A_720 = vector.broadcast %mul3A_719 : f32 to vector<17x32xf32>
    %mul3A_721 = arith.mulf %sub3A_718, %mul3A_720 : vector<17x32xf32>
    %floor3A_722 = math.floor %mul3A_709 : vector<17x32xf32>
    %floor3A_723 = math.floor %mul3A_721 : vector<17x32xf32>
    %sub3A_724 = arith.subf %mul3A_709, %floor3A_722 : vector<17x32xf32>
    %sub3A_725 = arith.constant 1.000000e+00 : f32
    %sub3A_726 = vector.broadcast %sub3A_725 : f32 to vector<17x32xf32>
    %sub3A_727 = arith.subf %sub3A_726, %sub3A_724 : vector<17x32xf32>
    %sub3A_728 = arith.subf %mul3A_721, %floor3A_723 : vector<17x32xf32>
    %sub3A_729 = arith.constant 1.000000e+00 : f32
    %sub3A_730 = vector.broadcast %sub3A_729 : f32 to vector<17x32xf32>
    %sub3A_731 = arith.subf %sub3A_730, %sub3A_728 : vector<17x32xf32>
    %mul3A_732 = arith.constant 9216 : i32
    %mul3A_733 = arith.muli %arg0, %mul3A_732 : i32
    %add3A_734 = arith.constant 0.000000e+00 : f32
    %add3A_735 = vector.broadcast %add3A_734 : f32 to vector<17x32xf32>
    %add3A_736 = arith.addf %floor3A_722, %add3A_735 : vector<17x32xf32>
    %add3A_737 = arith.constant 0.000000e+00 : f32
    %add3A_738 = vector.broadcast %add3A_737 : f32 to vector<17x32xf32>
    %add3A_739 = arith.addf %floor3A_723, %add3A_738 : vector<17x32xf32>
    %ge3A_740 = arith.constant 0.000000e+00 : f32
    %ge3A_741 = vector.broadcast %ge3A_740 : f32 to vector<17x32xf32>
    %ge3A_742 = arith.cmpf oge, %add3A_736, %ge3A_741 : vector<17x32xf32>
    %le3A_743 = arith.constant 9.500000e+01 : f32
    %le3A_744 = vector.broadcast %le3A_743 : f32 to vector<17x32xf32>
    %le3A_745 = arith.cmpf ole, %add3A_736, %le3A_744 : vector<17x32xf32>
    %and3A_746 = arith.andi %ge3A_742, %le3A_745 : vector<17x32xi1>
    %ge3A_747 = arith.constant 0.000000e+00 : f32
    %ge3A_748 = vector.broadcast %ge3A_747 : f32 to vector<17x32xf32>
    %ge3A_749 = arith.cmpf oge, %add3A_739, %ge3A_748 : vector<17x32xf32>
    %and3A_750 = arith.andi %and3A_746, %ge3A_749 : vector<17x32xi1>
    %le3A_751 = arith.constant 9.500000e+01 : f32
    %le3A_752 = vector.broadcast %le3A_751 : f32 to vector<17x32xf32>
    %le3A_753 = arith.cmpf ole, %add3A_739, %le3A_752 : vector<17x32xf32>
    %and3A_754 = arith.andi %and3A_750, %le3A_753 : vector<17x32xi1>
    %jit3A_755 = arith.constant 0.000000e+00 : f32
    %jit3A_756 = arith.constant 9.500000e+01 : f32
    %max3A_757 = vector.broadcast %jit3A_755 : f32 to vector<17x32xf32>
    %max3A_758 = arith.maximumf %max3A_757, %add3A_736 : vector<17x32xf32>
    %min3A_759 = vector.broadcast %jit3A_756 : f32 to vector<17x32xf32>
    %min3A_760 = arith.minimumf %min3A_759, %max3A_758 : vector<17x32xf32>
    %jit3A_761 = arith.constant 0.000000e+00 : f32
    %jit3A_762 = arith.constant 9.500000e+01 : f32
    %max3A_763 = vector.broadcast %jit3A_761 : f32 to vector<17x32xf32>
    %max3A_764 = arith.maximumf %max3A_763, %add3A_739 : vector<17x32xf32>
    %min3A_765 = vector.broadcast %jit3A_762 : f32 to vector<17x32xf32>
    %min3A_766 = arith.minimumf %min3A_765, %max3A_764 : vector<17x32xf32>
    %mul3A_767 = arith.constant 9.600000e+01 : f32
    %mul3A_768 = vector.broadcast %mul3A_767 : f32 to vector<17x32xf32>
    %mul3A_769 = arith.mulf %min3A_766, %mul3A_768 : vector<17x32xf32>
    %add3A_770 = arith.addf %mul3A_769, %min3A_760 : vector<17x32xf32>
    %convert_element_type3A_771 = arith.fptosi %add3A_770 : vector<17x32xf32> to vector<17x32xi32>
    %mul3A_772 = arith.mulf %sub3A_727, %sub3A_731 : vector<17x32xf32>
    %convert_element_type3A_773 = arith.extui %and3A_754 : vector<17x32xi1> to vector<17x32xi32>
    %convert_element_type3A_774 = arith.sitofp %convert_element_type3A_773 : vector<17x32xi32> to vector<17x32xf32>
    %mul3A_775 = arith.mulf %mul3A_772, %convert_element_type3A_774 : vector<17x32xf32>
    %add3A_776 = vector.broadcast %mul3A_733 : i32 to vector<17x32xi32>
    %add3A_777 = arith.addi %convert_element_type3A_771, %add3A_776 : vector<17x32xi32>
    %swap3A_778 = arith.constant 0 : index
    %swap3A_779 = arith.constant 0 : index
    %swap3A_780 = arith.constant 0 : index
    %swap3A_781 = arith.constant 0 : index
    %swap3A_782 = vector.load %arg8[%swap3A_778, %swap3A_779, %swap3A_780, %swap3A_781] : memref<1x4x17x32xi32, #tpu.memory_space<vmem>>, vector<1x1x17x32xi32>
    %swap3A_783 = vector.shape_cast %swap3A_782 : vector<1x1x17x32xi32> to vector<17x32xi32>
    %swap3A_784 = vector.shape_cast %add3A_777 : vector<17x32xi32> to vector<1x1x17x32xi32>
    tpu.vector_store %arg8[%swap3A_778, %swap3A_779, %swap3A_780, %swap3A_781], %swap3A_784 {strides = array<i32>} : memref<1x4x17x32xi32, #tpu.memory_space<vmem>>, vector<1x1x17x32xi32>,
    %mul3A_785 = arith.mulf %div3A_681, %mul3A_775 : vector<17x32xf32>
    %swap3A_786 = arith.constant 0 : index
    %swap3A_787 = arith.constant 0 : index
    %swap3A_788 = arith.constant 0 : index
    %swap3A_789 = arith.constant 0 : index
    %swap3A_790 = vector.load %arg9[%swap3A_786, %swap3A_787, %swap3A_788, %swap3A_789] : memref<1x4x17x32xf32, #tpu.memory_space<vmem>>, vector<1x1x17x32xf32>
    %swap3A_791 = vector.shape_cast %swap3A_790 : vector<1x1x17x32xf32> to vector<17x32xf32>
    %swap3A_792 = vector.shape_cast %mul3A_785 : vector<17x32xf32> to vector<1x1x17x32xf32>
    tpu.vector_store %arg9[%swap3A_786, %swap3A_787, %swap3A_788, %swap3A_789], %swap3A_792 {strides = array<i32>} : memref<1x4x17x32xf32, #tpu.memory_space<vmem>>, vector<1x1x17x32xf32>,
    %add3A_793 = arith.constant 1.000000e+00 : f32
    %add3A_794 = vector.broadcast %add3A_793 : f32 to vector<17x32xf32>
    %add3A_795 = arith.addf %floor3A_722, %add3A_794 : vector<17x32xf32>
    %add3A_796 = arith.constant 0.000000e+00 : f32
    %add3A_797 = vector.broadcast %add3A_796 : f32 to vector<17x32xf32>
    %add3A_798 = arith.addf %floor3A_723, %add3A_797 : vector<17x32xf32>
    %ge3A_799 = arith.constant 0.000000e+00 : f32
    %ge3A_800 = vector.broadcast %ge3A_799 : f32 to vector<17x32xf32>
    %ge3A_801 = arith.cmpf oge, %add3A_795, %ge3A_800 : vector<17x32xf32>
    %le3A_802 = arith.constant 9.500000e+01 : f32
    %le3A_803 = vector.broadcast %le3A_802 : f32 to vector<17x32xf32>
    %le3A_804 = arith.cmpf ole, %add3A_795, %le3A_803 : vector<17x32xf32>
    %and3A_805 = arith.andi %ge3A_801, %le3A_804 : vector<17x32xi1>
    %ge3A_806 = arith.constant 0.000000e+00 : f32
    %ge3A_807 = vector.broadcast %ge3A_806 : f32 to vector<17x32xf32>
    %ge3A_808 = arith.cmpf oge, %add3A_798, %ge3A_807 : vector<17x32xf32>
    %and3A_809 = arith.andi %and3A_805, %ge3A_808 : vector<17x32xi1>
    %le3A_810 = arith.constant 9.500000e+01 : f32
    %le3A_811 = vector.broadcast %le3A_810 : f32 to vector<17x32xf32>
    %le3A_812 = arith.cmpf ole, %add3A_798, %le3A_811 : vector<17x32xf32>
    %and3A_813 = arith.andi %and3A_809, %le3A_812 : vector<17x32xi1>
    %jit3A_814 = arith.constant 0.000000e+00 : f32
    %jit3A_815 = arith.constant 9.500000e+01 : f32
    %max3A_816 = vector.broadcast %jit3A_814 : f32 to vector<17x32xf32>
    %max3A_817 = arith.maximumf %max3A_816, %add3A_795 : vector<17x32xf32>
    %min3A_818 = vector.broadcast %jit3A_815 : f32 to vector<17x32xf32>
    %min3A_819 = arith.minimumf %min3A_818, %max3A_817 : vector<17x32xf32>
    %jit3A_820 = arith.constant 0.000000e+00 : f32
    %jit3A_821 = arith.constant 9.500000e+01 : f32
    %max3A_822 = vector.broadcast %jit3A_820 : f32 to vector<17x32xf32>
    %max3A_823 = arith.maximumf %max3A_822, %add3A_798 : vector<17x32xf32>
    %min3A_824 = vector.broadcast %jit3A_821 : f32 to vector<17x32xf32>
    %min3A_825 = arith.minimumf %min3A_824, %max3A_823 : vector<17x32xf32>
    %mul3A_826 = arith.constant 9.600000e+01 : f32
    %mul3A_827 = vector.broadcast %mul3A_826 : f32 to vector<17x32xf32>
    %mul3A_828 = arith.mulf %min3A_825, %mul3A_827 : vector<17x32xf32>
    %add3A_829 = arith.addf %mul3A_828, %min3A_819 : vector<17x32xf32>
    %convert_element_type3A_830 = arith.fptosi %add3A_829 : vector<17x32xf32> to vector<17x32xi32>
    %mul3A_831 = arith.mulf %sub3A_724, %sub3A_731 : vector<17x32xf32>
    %convert_element_type3A_832 = arith.extui %and3A_813 : vector<17x32xi1> to vector<17x32xi32>
    %convert_element_type3A_833 = arith.sitofp %convert_element_type3A_832 : vector<17x32xi32> to vector<17x32xf32>
    %mul3A_834 = arith.mulf %mul3A_831, %convert_element_type3A_833 : vector<17x32xf32>
    %add3A_835 = vector.broadcast %mul3A_733 : i32 to vector<17x32xi32>
    %add3A_836 = arith.addi %convert_element_type3A_830, %add3A_835 : vector<17x32xi32>
    %swap3A_837 = arith.constant 0 : index
    %swap3A_838 = arith.constant 1 : index
    %swap3A_839 = arith.constant 0 : index
    %swap3A_840 = arith.constant 0 : index
    %swap3A_841 = vector.load %arg8[%swap3A_837, %swap3A_838, %swap3A_839, %swap3A_840] : memref<1x4x17x32xi32, #tpu.memory_space<vmem>>, vector<1x1x17x32xi32>
    %swap3A_842 = vector.shape_cast %swap3A_841 : vector<1x1x17x32xi32> to vector<17x32xi32>
    %swap3A_843 = vector.shape_cast %add3A_836 : vector<17x32xi32> to vector<1x1x17x32xi32>
    tpu.vector_store %arg8[%swap3A_837, %swap3A_838, %swap3A_839, %swap3A_840], %swap3A_843 {strides = array<i32>} : memref<1x4x17x32xi32, #tpu.memory_space<vmem>>, vector<1x1x17x32xi32>,
    %mul3A_844 = arith.mulf %div3A_681, %mul3A_834 : vector<17x32xf32>
    %swap3A_845 = arith.constant 0 : index
    %swap3A_846 = arith.constant 1 : index
    %swap3A_847 = arith.constant 0 : index
    %swap3A_848 = arith.constant 0 : index
    %swap3A_849 = vector.load %arg9[%swap3A_845, %swap3A_846, %swap3A_847, %swap3A_848] : memref<1x4x17x32xf32, #tpu.memory_space<vmem>>, vector<1x1x17x32xf32>
    %swap3A_850 = vector.shape_cast %swap3A_849 : vector<1x1x17x32xf32> to vector<17x32xf32>
    %swap3A_851 = vector.shape_cast %mul3A_844 : vector<17x32xf32> to vector<1x1x17x32xf32>
    tpu.vector_store %arg9[%swap3A_845, %swap3A_846, %swap3A_847, %swap3A_848], %swap3A_851 {strides = array<i32>} : memref<1x4x17x32xf32, #tpu.memory_space<vmem>>, vector<1x1x17x32xf32>,
    %add3A_852 = arith.constant 0.000000e+00 : f32
    %add3A_853 = vector.broadcast %add3A_852 : f32 to vector<17x32xf32>
    %add3A_854 = arith.addf %floor3A_722, %add3A_853 : vector<17x32xf32>
    %add3A_855 = arith.constant 1.000000e+00 : f32
    %add3A_856 = vector.broadcast %add3A_855 : f32 to vector<17x32xf32>
    %add3A_857 = arith.addf %floor3A_723, %add3A_856 : vector<17x32xf32>
    %ge3A_858 = arith.constant 0.000000e+00 : f32
    %ge3A_859 = vector.broadcast %ge3A_858 : f32 to vector<17x32xf32>
    %ge3A_860 = arith.cmpf oge, %add3A_854, %ge3A_859 : vector<17x32xf32>
    %le3A_861 = arith.constant 9.500000e+01 : f32
    %le3A_862 = vector.broadcast %le3A_861 : f32 to vector<17x32xf32>
    %le3A_863 = arith.cmpf ole, %add3A_854, %le3A_862 : vector<17x32xf32>
    %and3A_864 = arith.andi %ge3A_860, %le3A_863 : vector<17x32xi1>
    %ge3A_865 = arith.constant 0.000000e+00 : f32
    %ge3A_866 = vector.broadcast %ge3A_865 : f32 to vector<17x32xf32>
    %ge3A_867 = arith.cmpf oge, %add3A_857, %ge3A_866 : vector<17x32xf32>
    %and3A_868 = arith.andi %and3A_864, %ge3A_867 : vector<17x32xi1>
    %le3A_869 = arith.constant 9.500000e+01 : f32
    %le3A_870 = vector.broadcast %le3A_869 : f32 to vector<17x32xf32>
    %le3A_871 = arith.cmpf ole, %add3A_857, %le3A_870 : vector<17x32xf32>
    %and3A_872 = arith.andi %and3A_868, %le3A_871 : vector<17x32xi1>
    %jit3A_873 = arith.constant 0.000000e+00 : f32
    %jit3A_874 = arith.constant 9.500000e+01 : f32
    %max3A_875 = vector.broadcast %jit3A_873 : f32 to vector<17x32xf32>
    %max3A_876 = arith.maximumf %max3A_875, %add3A_854 : vector<17x32xf32>
    %min3A_877 = vector.broadcast %jit3A_874 : f32 to vector<17x32xf32>
    %min3A_878 = arith.minimumf %min3A_877, %max3A_876 : vector<17x32xf32>
    %jit3A_879 = arith.constant 0.000000e+00 : f32
    %jit3A_880 = arith.constant 9.500000e+01 : f32
    %max3A_881 = vector.broadcast %jit3A_879 : f32 to vector<17x32xf32>
    %max3A_882 = arith.maximumf %max3A_881, %add3A_857 : vector<17x32xf32>
    %min3A_883 = vector.broadcast %jit3A_880 : f32 to vector<17x32xf32>
    %min3A_884 = arith.minimumf %min3A_883, %max3A_882 : vector<17x32xf32>
    %mul3A_885 = arith.constant 9.600000e+01 : f32
    %mul3A_886 = vector.broadcast %mul3A_885 : f32 to vector<17x32xf32>
    %mul3A_887 = arith.mulf %min3A_884, %mul3A_886 : vector<17x32xf32>
    %add3A_888 = arith.addf %mul3A_887, %min3A_878 : vector<17x32xf32>
    %convert_element_type3A_889 = arith.fptosi %add3A_888 : vector<17x32xf32> to vector<17x32xi32>
    %mul3A_890 = arith.mulf %sub3A_727, %sub3A_728 : vector<17x32xf32>
    %convert_element_type3A_891 = arith.extui %and3A_872 : vector<17x32xi1> to vector<17x32xi32>
    %convert_element_type3A_892 = arith.sitofp %convert_element_type3A_891 : vector<17x32xi32> to vector<17x32xf32>
    %mul3A_893 = arith.mulf %mul3A_890, %convert_element_type3A_892 : vector<17x32xf32>
    %add3A_894 = vector.broadcast %mul3A_733 : i32 to vector<17x32xi32>
    %add3A_895 = arith.addi %convert_element_type3A_889, %add3A_894 : vector<17x32xi32>
    %swap3A_896 = arith.constant 0 : index
    %swap3A_897 = arith.constant 2 : index
    %swap3A_898 = arith.constant 0 : index
    %swap3A_899 = arith.constant 0 : index
    %swap3A_900 = vector.load %arg8[%swap3A_896, %swap3A_897, %swap3A_898, %swap3A_899] : memref<1x4x17x32xi32, #tpu.memory_space<vmem>>, vector<1x1x17x32xi32>
    %swap3A_901 = vector.shape_cast %swap3A_900 : vector<1x1x17x32xi32> to vector<17x32xi32>
    %swap3A_902 = vector.shape_cast %add3A_895 : vector<17x32xi32> to vector<1x1x17x32xi32>
    tpu.vector_store %arg8[%swap3A_896, %swap3A_897, %swap3A_898, %swap3A_899], %swap3A_902 {strides = array<i32>} : memref<1x4x17x32xi32, #tpu.memory_space<vmem>>, vector<1x1x17x32xi32>,
    %mul3A_903 = arith.mulf %div3A_681, %mul3A_893 : vector<17x32xf32>
    %swap3A_904 = arith.constant 0 : index
    %swap3A_905 = arith.constant 2 : index
    %swap3A_906 = arith.constant 0 : index
    %swap3A_907 = arith.constant 0 : index
    %swap3A_908 = vector.load %arg9[%swap3A_904, %swap3A_905, %swap3A_906, %swap3A_907] : memref<1x4x17x32xf32, #tpu.memory_space<vmem>>, vector<1x1x17x32xf32>
    %swap3A_909 = vector.shape_cast %swap3A_908 : vector<1x1x17x32xf32> to vector<17x32xf32>
    %swap3A_910 = vector.shape_cast %mul3A_903 : vector<17x32xf32> to vector<1x1x17x32xf32>
    tpu.vector_store %arg9[%swap3A_904, %swap3A_905, %swap3A_906, %swap3A_907], %swap3A_910 {strides = array<i32>} : memref<1x4x17x32xf32, #tpu.memory_space<vmem>>, vector<1x1x17x32xf32>,
    %add3A_911 = arith.constant 1.000000e+00 : f32
    %add3A_912 = vector.broadcast %add3A_911 : f32 to vector<17x32xf32>
    %add3A_913 = arith.addf %floor3A_722, %add3A_912 : vector<17x32xf32>
    %add3A_914 = arith.constant 1.000000e+00 : f32
    %add3A_915 = vector.broadcast %add3A_914 : f32 to vector<17x32xf32>
    %add3A_916 = arith.addf %floor3A_723, %add3A_915 : vector<17x32xf32>
    %ge3A_917 = arith.constant 0.000000e+00 : f32
    %ge3A_918 = vector.broadcast %ge3A_917 : f32 to vector<17x32xf32>
    %ge3A_919 = arith.cmpf oge, %add3A_913, %ge3A_918 : vector<17x32xf32>
    %le3A_920 = arith.constant 9.500000e+01 : f32
    %le3A_921 = vector.broadcast %le3A_920 : f32 to vector<17x32xf32>
    %le3A_922 = arith.cmpf ole, %add3A_913, %le3A_921 : vector<17x32xf32>
    %and3A_923 = arith.andi %ge3A_919, %le3A_922 : vector<17x32xi1>
    %ge3A_924 = arith.constant 0.000000e+00 : f32
    %ge3A_925 = vector.broadcast %ge3A_924 : f32 to vector<17x32xf32>
    %ge3A_926 = arith.cmpf oge, %add3A_916, %ge3A_925 : vector<17x32xf32>
    %and3A_927 = arith.andi %and3A_923, %ge3A_926 : vector<17x32xi1>
    %le3A_928 = arith.constant 9.500000e+01 : f32
    %le3A_929 = vector.broadcast %le3A_928 : f32 to vector<17x32xf32>
    %le3A_930 = arith.cmpf ole, %add3A_916, %le3A_929 : vector<17x32xf32>
    %and3A_931 = arith.andi %and3A_927, %le3A_930 : vector<17x32xi1>
    %jit3A_932 = arith.constant 0.000000e+00 : f32
    %jit3A_933 = arith.constant 9.500000e+01 : f32
    %max3A_934 = vector.broadcast %jit3A_932 : f32 to vector<17x32xf32>
    %max3A_935 = arith.maximumf %max3A_934, %add3A_913 : vector<17x32xf32>
    %min3A_936 = vector.broadcast %jit3A_933 : f32 to vector<17x32xf32>
    %min3A_937 = arith.minimumf %min3A_936, %max3A_935 : vector<17x32xf32>
    %jit3A_938 = arith.constant 0.000000e+00 : f32
    %jit3A_939 = arith.constant 9.500000e+01 : f32
    %max3A_940 = vector.broadcast %jit3A_938 : f32 to vector<17x32xf32>
    %max3A_941 = arith.maximumf %max3A_940, %add3A_916 : vector<17x32xf32>
    %min3A_942 = vector.broadcast %jit3A_939 : f32 to vector<17x32xf32>
    %min3A_943 = arith.minimumf %min3A_942, %max3A_941 : vector<17x32xf32>
    %mul3A_944 = arith.constant 9.600000e+01 : f32
    %mul3A_945 = vector.broadcast %mul3A_944 : f32 to vector<17x32xf32>
    %mul3A_946 = arith.mulf %min3A_943, %mul3A_945 : vector<17x32xf32>
    %add3A_947 = arith.addf %mul3A_946, %min3A_937 : vector<17x32xf32>
    %convert_element_type3A_948 = arith.fptosi %add3A_947 : vector<17x32xf32> to vector<17x32xi32>
    %mul3A_949 = arith.mulf %sub3A_724, %sub3A_728 : vector<17x32xf32>
    %convert_element_type3A_950 = arith.extui %and3A_931 : vector<17x32xi1> to vector<17x32xi32>
    %convert_element_type3A_951 = arith.sitofp %convert_element_type3A_950 : vector<17x32xi32> to vector<17x32xf32>
    %mul3A_952 = arith.mulf %mul3A_949, %convert_element_type3A_951 : vector<17x32xf32>
    %add3A_953 = vector.broadcast %mul3A_733 : i32 to vector<17x32xi32>
    %add3A_954 = arith.addi %convert_element_type3A_948, %add3A_953 : vector<17x32xi32>
    %swap3A_955 = arith.constant 0 : index
    %swap3A_956 = arith.constant 3 : index
    %swap3A_957 = arith.constant 0 : index
    %swap3A_958 = arith.constant 0 : index
    %swap3A_959 = vector.load %arg8[%swap3A_955, %swap3A_956, %swap3A_957, %swap3A_958] : memref<1x4x17x32xi32, #tpu.memory_space<vmem>>, vector<1x1x17x32xi32>
    %swap3A_960 = vector.shape_cast %swap3A_959 : vector<1x1x17x32xi32> to vector<17x32xi32>
    %swap3A_961 = vector.shape_cast %add3A_954 : vector<17x32xi32> to vector<1x1x17x32xi32>
    tpu.vector_store %arg8[%swap3A_955, %swap3A_956, %swap3A_957, %swap3A_958], %swap3A_961 {strides = array<i32>} : memref<1x4x17x32xi32, #tpu.memory_space<vmem>>, vector<1x1x17x32xi32>,
    %mul3A_962 = arith.mulf %div3A_681, %mul3A_952 : vector<17x32xf32>
    %swap3A_963 = arith.constant 0 : index
    %swap3A_964 = arith.constant 3 : index
    %swap3A_965 = arith.constant 0 : index
    %swap3A_966 = arith.constant 0 : index
    %swap3A_967 = vector.load %arg9[%swap3A_963, %swap3A_964, %swap3A_965, %swap3A_966] : memref<1x4x17x32xf32, #tpu.memory_space<vmem>>, vector<1x1x17x32xf32>
    %swap3A_968 = vector.shape_cast %swap3A_967 : vector<1x1x17x32xf32> to vector<17x32xf32>
    %swap3A_969 = vector.shape_cast %mul3A_962 : vector<17x32xf32> to vector<1x1x17x32xf32>
    tpu.vector_store %arg9[%swap3A_963, %swap3A_964, %swap3A_965, %swap3A_966], %swap3A_969 {strides = array<i32>} : memref<1x4x17x32xf32, #tpu.memory_space<vmem>>, vector<1x1x17x32xf32>,
    return
  }
  func.func @transform_0(%arg0: i32) -> (i32, i32, i32) {
    %c0_i32 = arith.constant 0 : i32
    %c0_i32_0 = arith.constant 0 : i32
    %c0_i32_1 = arith.constant 0 : i32
    return %arg0, %c0_i32, %c0_i32_0 : i32, i32, i32
  }
  func.func @transform_1(%arg0: i32) -> (i32, i32, i32) {
    %c1_i32 = arith.constant 1 : i32
    %c0_i32 = arith.constant 0 : i32
    %c0_i32_0 = arith.constant 0 : i32
    return %arg0, %c1_i32, %c0_i32 : i32, i32, i32
  }
  func.func @transform_2(%arg0: i32) -> (i32, i32, i32) {
    %c0_i32 = arith.constant 0 : i32
    %c0_i32_0 = arith.constant 0 : i32
    %c0_i32_1 = arith.constant 0 : i32
    return %arg0, %c0_i32, %c0_i32_0 : i32, i32, i32
  }
  func.func @transform_3(%arg0: i32) -> (i32, i32) {
    %c0_i32 = arith.constant 0 : i32
    %c0_i32_0 = arith.constant 0 : i32
    %c0_i32_1 = arith.constant 0 : i32
    return %c0_i32, %c0_i32_0 : i32, i32
  }
  func.func @transform_4(%arg0: i32) -> (i32, i32) {
    %c0_i32 = arith.constant 0 : i32
    %c0_i32_0 = arith.constant 0 : i32
    %c0_i32_1 = arith.constant 0 : i32
    return %c0_i32, %c0_i32_0 : i32, i32
  }
  func.func @transform_5(%arg0: i32) -> (i32, i32) {
    %c0_i32 = arith.constant 0 : i32
    %c0_i32_0 = arith.constant 0 : i32
    %c0_i32_1 = arith.constant 0 : i32
    return %c0_i32, %c0_i32_0 : i32, i32
  }
  func.func @transform_6(%arg0: i32) -> (i32, i32, i32) {
    %c0_i32 = arith.constant 0 : i32
    %c0_i32_0 = arith.constant 0 : i32
    %c0_i32_1 = arith.constant 0 : i32
    return %arg0, %c0_i32, %c0_i32_0 : i32, i32, i32
  }
  func.func @transform_7(%arg0: i32) -> (i32, i32, i32, i32) {
    %c0_i32 = arith.constant 0 : i32
    %c0_i32_0 = arith.constant 0 : i32
    %c0_i32_1 = arith.constant 0 : i32
    %c0_i32_2 = arith.constant 0 : i32
    return %arg0, %c0_i32, %c0_i32_0, %c0_i32_1 : i32, i32, i32, i32
  }
  func.func @transform_8(%arg0: i32) -> (i32, i32, i32, i32) {
    %c0_i32 = arith.constant 0 : i32
    %c0_i32_0 = arith.constant 0 : i32
    %c0_i32_1 = arith.constant 0 : i32
    %c0_i32_2 = arith.constant 0 : i32
    return %arg0, %c0_i32, %c0_i32_0, %c0_i32_1 : i32, i32, i32, i32
  }
}

module attributes {stable_mosaic.version = 14 : i64} {
  func.func @_reduce_body(%arg0: i32, %arg1: memref<8x2176x128xi32, #tpu.memory_space<vmem>>, %arg2: memref<8x1x2176xf32, #tpu.memory_space<vmem>>, %arg3: memref<17x2176xf32, #tpu.memory_space<vmem>>, %arg4: memref<256x192xf32, #tpu.memory_space<vmem>>, %arg5: memref<1x192xf32, #tpu.memory_space<vmem>>, %arg6: memref<8x17x192xf32, #tpu.memory_space<vmem>>) attributes {dimension_semantics = [#tpu.dimension_semantics<arbitrary>], iteration_bounds = array<i64: 4>, scalar_prefetch = 0 : i64, scratch_operands = 0 : i64, tpu.core_type = #tpu.core_type<tc>, window_params = [{transform_indices = @transform_0, window_bounds = array<i64: 8, 2176, 128>}, {transform_indices = @transform_1, window_bounds = array<i64: 8, 1, 2176>}, {pipeline_mode = #tpu.pipeline_mode<synchronous>, transform_indices = @transform_2, window_bounds = array<i64: 17, 2176>}, {pipeline_mode = #tpu.pipeline_mode<synchronous>, transform_indices = @transform_3, window_bounds = array<i64: 256, 192>}, {pipeline_mode = #tpu.pipeline_mode<synchronous>, transform_indices = @transform_4, window_bounds = array<i64: 1, 192>}, {transform_indices = @transform_5, window_bounds = array<i64: 8, 17, 192>}]} {
    %get3A = arith.constant 0 : index
    %get3A_0 = arith.constant 0 : index
    %get3A_1 = arith.constant 0 : index
    %get3A_2 = vector.load %arg1[%get3A, %get3A_0, %get3A_1] : memref<8x2176x128xi32, #tpu.memory_space<vmem>>, vector<1x2176x128xi32>
    %get3A_3 = vector.shape_cast %get3A_2 : vector<1x2176x128xi32> to vector<2176x128xi32>
    %bitcast_convert_type3A = tpu.bitcast %get3A_3 : vector<2176x128xi32> -> vector<2176x128xi32>
    %shift_left3A = arith.constant 16 : i32
    %shift_left3A_4 = vector.broadcast %shift_left3A : i32 to vector<2176x128xi32>
    %shift_left3A_5 = arith.shli %bitcast_convert_type3A, %shift_left3A_4 : vector<2176x128xi32>
    %bitcast_convert_type3A_6 = tpu.bitcast %shift_left3A_5 : vector<2176x128xi32> -> vector<2176x128xf32>
    %and3A = arith.constant -65536 : i32
    %and3A_7 = vector.broadcast %and3A : i32 to vector<2176x128xi32>
    %and3A_8 = arith.andi %bitcast_convert_type3A, %and3A_7 : vector<2176x128xi32>
    %bitcast_convert_type3A_9 = tpu.bitcast %and3A_8 : vector<2176x128xi32> -> vector<2176x128xf32>
    %get3A_10 = arith.constant 0 : index
    %get3A_11 = arith.constant 0 : index
    %get3A_12 = vector.load %arg3[%get3A_10, %get3A_11] : memref<17x2176xf32, #tpu.memory_space<vmem>>, vector<17x2176xf32>
    %get3A_13 = arith.constant 0 : index
    %get3A_14 = arith.constant 0 : index
    %get3A_15 = arith.constant 0 : index
    %get3A_16 = vector.load %arg2[%get3A_13, %get3A_14, %get3A_15] : memref<8x1x2176xf32, #tpu.memory_space<vmem>>, vector<1x1x2176xf32>
    %get3A_17 = vector.shape_cast %get3A_16 : vector<1x1x2176xf32> to vector<1x2176xf32>
    %mul3A = vector.broadcast %get3A_17 : vector<1x2176xf32> to vector<17x2176xf32>
    %mul3A_18 = arith.mulf %get3A_12, %mul3A : vector<17x2176xf32>
    %dot_general3A = arith.constant dense<0.000000e+00> : vector<17x128xf32>
    %dot_general3A_19 = tpu.matmul %mul3A_18, %bitcast_convert_type3A_6, %dot_general3A {dimension_numbers = #tpu.dot_dimension_numbers<[1], [0], [0], [1], [0, 0, 1, 1], [], []>, transpose_lhs_hint = false} : vector<17x2176xf32>, vector<2176x128xf32>, vector<17x128xf32> -> vector<17x128xf32>
    %dot_general3A_20 = arith.constant dense<0.000000e+00> : vector<17x128xf32>
    %dot_general3A_21 = tpu.matmul %mul3A_18, %bitcast_convert_type3A_9, %dot_general3A_20 {dimension_numbers = #tpu.dot_dimension_numbers<[1], [0], [0], [1], [0, 0, 1, 1], [], []>, transpose_lhs_hint = false} : vector<17x2176xf32>, vector<2176x128xf32>, vector<17x128xf32> -> vector<17x128xf32>
    %get3A_22 = arith.constant 0 : index
    %get3A_23 = arith.constant 0 : index
    %get3A_24 = vector.load %arg4[%get3A_22, %get3A_23] : memref<256x192xf32, #tpu.memory_space<vmem>>, vector<128x192xf32>
    %dot_general3A_25 = arith.constant dense<0.000000e+00> : vector<17x192xf32>
    %dot_general3A_26 = tpu.matmul %dot_general3A_19, %get3A_24, %dot_general3A_25 {dimension_numbers = #tpu.dot_dimension_numbers<[1], [0], [0], [1], [0, 0, 1, 1], [], []>, transpose_lhs_hint = false} : vector<17x128xf32>, vector<128x192xf32>, vector<17x192xf32> -> vector<17x192xf32>
    %get3A_27 = arith.constant 128 : index
    %get3A_28 = arith.constant 0 : index
    %get3A_29 = vector.load %arg4[%get3A_27, %get3A_28] : memref<256x192xf32, #tpu.memory_space<vmem>>, vector<128x192xf32>
    %dot_general3A_30 = arith.constant dense<0.000000e+00> : vector<17x192xf32>
    %dot_general3A_31 = tpu.matmul %dot_general3A_21, %get3A_29, %dot_general3A_30 {dimension_numbers = #tpu.dot_dimension_numbers<[1], [0], [0], [1], [0, 0, 1, 1], [], []>, transpose_lhs_hint = false} : vector<17x128xf32>, vector<128x192xf32>, vector<17x192xf32> -> vector<17x192xf32>
    %add3A = arith.addf %dot_general3A_26, %dot_general3A_31 : vector<17x192xf32>
    %get3A_32 = arith.constant 0 : index
    %get3A_33 = arith.constant 0 : index
    %get3A_34 = vector.load %arg5[%get3A_32, %get3A_33] : memref<1x192xf32, #tpu.memory_space<vmem>>, vector<1x192xf32>
    %add3A_35 = vector.broadcast %get3A_34 : vector<1x192xf32> to vector<17x192xf32>
    %add3A_36 = arith.addf %add3A, %add3A_35 : vector<17x192xf32>
    %swap3A = arith.constant 0 : index
    %swap3A_37 = arith.constant 0 : index
    %swap3A_38 = arith.constant 0 : index
    %swap3A_39 = vector.load %arg6[%swap3A, %swap3A_37, %swap3A_38] : memref<8x17x192xf32, #tpu.memory_space<vmem>>, vector<1x17x192xf32>
    %swap3A_40 = vector.shape_cast %swap3A_39 : vector<1x17x192xf32> to vector<17x192xf32>
    %swap3A_41 = vector.shape_cast %add3A_36 : vector<17x192xf32> to vector<1x17x192xf32>
    tpu.vector_store %arg6[%swap3A, %swap3A_37, %swap3A_38], %swap3A_41 {strides = array<i32>} : memref<8x17x192xf32, #tpu.memory_space<vmem>>, vector<1x17x192xf32>,
    %get3A_42 = arith.constant 1 : index
    %get3A_43 = arith.constant 0 : index
    %get3A_44 = arith.constant 0 : index
    %get3A_45 = vector.load %arg1[%get3A_42, %get3A_43, %get3A_44] : memref<8x2176x128xi32, #tpu.memory_space<vmem>>, vector<1x2176x128xi32>
    %get3A_46 = vector.shape_cast %get3A_45 : vector<1x2176x128xi32> to vector<2176x128xi32>
    %bitcast_convert_type3A_47 = tpu.bitcast %get3A_46 : vector<2176x128xi32> -> vector<2176x128xi32>
    %shift_left3A_48 = arith.constant 16 : i32
    %shift_left3A_49 = vector.broadcast %shift_left3A_48 : i32 to vector<2176x128xi32>
    %shift_left3A_50 = arith.shli %bitcast_convert_type3A_47, %shift_left3A_49 : vector<2176x128xi32>
    %bitcast_convert_type3A_51 = tpu.bitcast %shift_left3A_50 : vector<2176x128xi32> -> vector<2176x128xf32>
    %and3A_52 = arith.constant -65536 : i32
    %and3A_53 = vector.broadcast %and3A_52 : i32 to vector<2176x128xi32>
    %and3A_54 = arith.andi %bitcast_convert_type3A_47, %and3A_53 : vector<2176x128xi32>
    %bitcast_convert_type3A_55 = tpu.bitcast %and3A_54 : vector<2176x128xi32> -> vector<2176x128xf32>
    %get3A_56 = arith.constant 0 : index
    %get3A_57 = arith.constant 0 : index
    %get3A_58 = vector.load %arg3[%get3A_56, %get3A_57] : memref<17x2176xf32, #tpu.memory_space<vmem>>, vector<17x2176xf32>
    %get3A_59 = arith.constant 1 : index
    %get3A_60 = arith.constant 0 : index
    %get3A_61 = arith.constant 0 : index
    %get3A_62 = vector.load %arg2[%get3A_59, %get3A_60, %get3A_61] : memref<8x1x2176xf32, #tpu.memory_space<vmem>>, vector<1x1x2176xf32>
    %get3A_63 = vector.shape_cast %get3A_62 : vector<1x1x2176xf32> to vector<1x2176xf32>
    %mul3A_64 = vector.broadcast %get3A_63 : vector<1x2176xf32> to vector<17x2176xf32>
    %mul3A_65 = arith.mulf %get3A_58, %mul3A_64 : vector<17x2176xf32>
    %dot_general3A_66 = arith.constant dense<0.000000e+00> : vector<17x128xf32>
    %dot_general3A_67 = tpu.matmul %mul3A_65, %bitcast_convert_type3A_51, %dot_general3A_66 {dimension_numbers = #tpu.dot_dimension_numbers<[1], [0], [0], [1], [0, 0, 1, 1], [], []>, transpose_lhs_hint = false} : vector<17x2176xf32>, vector<2176x128xf32>, vector<17x128xf32> -> vector<17x128xf32>
    %dot_general3A_68 = arith.constant dense<0.000000e+00> : vector<17x128xf32>
    %dot_general3A_69 = tpu.matmul %mul3A_65, %bitcast_convert_type3A_55, %dot_general3A_68 {dimension_numbers = #tpu.dot_dimension_numbers<[1], [0], [0], [1], [0, 0, 1, 1], [], []>, transpose_lhs_hint = false} : vector<17x2176xf32>, vector<2176x128xf32>, vector<17x128xf32> -> vector<17x128xf32>
    %get3A_70 = arith.constant 0 : index
    %get3A_71 = arith.constant 0 : index
    %get3A_72 = vector.load %arg4[%get3A_70, %get3A_71] : memref<256x192xf32, #tpu.memory_space<vmem>>, vector<128x192xf32>
    %dot_general3A_73 = arith.constant dense<0.000000e+00> : vector<17x192xf32>
    %dot_general3A_74 = tpu.matmul %dot_general3A_67, %get3A_72, %dot_general3A_73 {dimension_numbers = #tpu.dot_dimension_numbers<[1], [0], [0], [1], [0, 0, 1, 1], [], []>, transpose_lhs_hint = false} : vector<17x128xf32>, vector<128x192xf32>, vector<17x192xf32> -> vector<17x192xf32>
    %get3A_75 = arith.constant 128 : index
    %get3A_76 = arith.constant 0 : index
    %get3A_77 = vector.load %arg4[%get3A_75, %get3A_76] : memref<256x192xf32, #tpu.memory_space<vmem>>, vector<128x192xf32>
    %dot_general3A_78 = arith.constant dense<0.000000e+00> : vector<17x192xf32>
    %dot_general3A_79 = tpu.matmul %dot_general3A_69, %get3A_77, %dot_general3A_78 {dimension_numbers = #tpu.dot_dimension_numbers<[1], [0], [0], [1], [0, 0, 1, 1], [], []>, transpose_lhs_hint = false} : vector<17x128xf32>, vector<128x192xf32>, vector<17x192xf32> -> vector<17x192xf32>
    %add3A_80 = arith.addf %dot_general3A_74, %dot_general3A_79 : vector<17x192xf32>
    %get3A_81 = arith.constant 0 : index
    %get3A_82 = arith.constant 0 : index
    %get3A_83 = vector.load %arg5[%get3A_81, %get3A_82] : memref<1x192xf32, #tpu.memory_space<vmem>>, vector<1x192xf32>
    %add3A_84 = vector.broadcast %get3A_83 : vector<1x192xf32> to vector<17x192xf32>
    %add3A_85 = arith.addf %add3A_80, %add3A_84 : vector<17x192xf32>
    %swap3A_86 = arith.constant 1 : index
    %swap3A_87 = arith.constant 0 : index
    %swap3A_88 = arith.constant 0 : index
    %swap3A_89 = vector.load %arg6[%swap3A_86, %swap3A_87, %swap3A_88] : memref<8x17x192xf32, #tpu.memory_space<vmem>>, vector<1x17x192xf32>
    %swap3A_90 = vector.shape_cast %swap3A_89 : vector<1x17x192xf32> to vector<17x192xf32>
    %swap3A_91 = vector.shape_cast %add3A_85 : vector<17x192xf32> to vector<1x17x192xf32>
    tpu.vector_store %arg6[%swap3A_86, %swap3A_87, %swap3A_88], %swap3A_91 {strides = array<i32>} : memref<8x17x192xf32, #tpu.memory_space<vmem>>, vector<1x17x192xf32>,
    %get3A_92 = arith.constant 2 : index
    %get3A_93 = arith.constant 0 : index
    %get3A_94 = arith.constant 0 : index
    %get3A_95 = vector.load %arg1[%get3A_92, %get3A_93, %get3A_94] : memref<8x2176x128xi32, #tpu.memory_space<vmem>>, vector<1x2176x128xi32>
    %get3A_96 = vector.shape_cast %get3A_95 : vector<1x2176x128xi32> to vector<2176x128xi32>
    %bitcast_convert_type3A_97 = tpu.bitcast %get3A_96 : vector<2176x128xi32> -> vector<2176x128xi32>
    %shift_left3A_98 = arith.constant 16 : i32
    %shift_left3A_99 = vector.broadcast %shift_left3A_98 : i32 to vector<2176x128xi32>
    %shift_left3A_100 = arith.shli %bitcast_convert_type3A_97, %shift_left3A_99 : vector<2176x128xi32>
    %bitcast_convert_type3A_101 = tpu.bitcast %shift_left3A_100 : vector<2176x128xi32> -> vector<2176x128xf32>
    %and3A_102 = arith.constant -65536 : i32
    %and3A_103 = vector.broadcast %and3A_102 : i32 to vector<2176x128xi32>
    %and3A_104 = arith.andi %bitcast_convert_type3A_97, %and3A_103 : vector<2176x128xi32>
    %bitcast_convert_type3A_105 = tpu.bitcast %and3A_104 : vector<2176x128xi32> -> vector<2176x128xf32>
    %get3A_106 = arith.constant 0 : index
    %get3A_107 = arith.constant 0 : index
    %get3A_108 = vector.load %arg3[%get3A_106, %get3A_107] : memref<17x2176xf32, #tpu.memory_space<vmem>>, vector<17x2176xf32>
    %get3A_109 = arith.constant 2 : index
    %get3A_110 = arith.constant 0 : index
    %get3A_111 = arith.constant 0 : index
    %get3A_112 = vector.load %arg2[%get3A_109, %get3A_110, %get3A_111] : memref<8x1x2176xf32, #tpu.memory_space<vmem>>, vector<1x1x2176xf32>
    %get3A_113 = vector.shape_cast %get3A_112 : vector<1x1x2176xf32> to vector<1x2176xf32>
    %mul3A_114 = vector.broadcast %get3A_113 : vector<1x2176xf32> to vector<17x2176xf32>
    %mul3A_115 = arith.mulf %get3A_108, %mul3A_114 : vector<17x2176xf32>
    %dot_general3A_116 = arith.constant dense<0.000000e+00> : vector<17x128xf32>
    %dot_general3A_117 = tpu.matmul %mul3A_115, %bitcast_convert_type3A_101, %dot_general3A_116 {dimension_numbers = #tpu.dot_dimension_numbers<[1], [0], [0], [1], [0, 0, 1, 1], [], []>, transpose_lhs_hint = false} : vector<17x2176xf32>, vector<2176x128xf32>, vector<17x128xf32> -> vector<17x128xf32>
    %dot_general3A_118 = arith.constant dense<0.000000e+00> : vector<17x128xf32>
    %dot_general3A_119 = tpu.matmul %mul3A_115, %bitcast_convert_type3A_105, %dot_general3A_118 {dimension_numbers = #tpu.dot_dimension_numbers<[1], [0], [0], [1], [0, 0, 1, 1], [], []>, transpose_lhs_hint = false} : vector<17x2176xf32>, vector<2176x128xf32>, vector<17x128xf32> -> vector<17x128xf32>
    %get3A_120 = arith.constant 0 : index
    %get3A_121 = arith.constant 0 : index
    %get3A_122 = vector.load %arg4[%get3A_120, %get3A_121] : memref<256x192xf32, #tpu.memory_space<vmem>>, vector<128x192xf32>
    %dot_general3A_123 = arith.constant dense<0.000000e+00> : vector<17x192xf32>
    %dot_general3A_124 = tpu.matmul %dot_general3A_117, %get3A_122, %dot_general3A_123 {dimension_numbers = #tpu.dot_dimension_numbers<[1], [0], [0], [1], [0, 0, 1, 1], [], []>, transpose_lhs_hint = false} : vector<17x128xf32>, vector<128x192xf32>, vector<17x192xf32> -> vector<17x192xf32>
    %get3A_125 = arith.constant 128 : index
    %get3A_126 = arith.constant 0 : index
    %get3A_127 = vector.load %arg4[%get3A_125, %get3A_126] : memref<256x192xf32, #tpu.memory_space<vmem>>, vector<128x192xf32>
    %dot_general3A_128 = arith.constant dense<0.000000e+00> : vector<17x192xf32>
    %dot_general3A_129 = tpu.matmul %dot_general3A_119, %get3A_127, %dot_general3A_128 {dimension_numbers = #tpu.dot_dimension_numbers<[1], [0], [0], [1], [0, 0, 1, 1], [], []>, transpose_lhs_hint = false} : vector<17x128xf32>, vector<128x192xf32>, vector<17x192xf32> -> vector<17x192xf32>
    %add3A_130 = arith.addf %dot_general3A_124, %dot_general3A_129 : vector<17x192xf32>
    %get3A_131 = arith.constant 0 : index
    %get3A_132 = arith.constant 0 : index
    %get3A_133 = vector.load %arg5[%get3A_131, %get3A_132] : memref<1x192xf32, #tpu.memory_space<vmem>>, vector<1x192xf32>
    %add3A_134 = vector.broadcast %get3A_133 : vector<1x192xf32> to vector<17x192xf32>
    %add3A_135 = arith.addf %add3A_130, %add3A_134 : vector<17x192xf32>
    %swap3A_136 = arith.constant 2 : index
    %swap3A_137 = arith.constant 0 : index
    %swap3A_138 = arith.constant 0 : index
    %swap3A_139 = vector.load %arg6[%swap3A_136, %swap3A_137, %swap3A_138] : memref<8x17x192xf32, #tpu.memory_space<vmem>>, vector<1x17x192xf32>
    %swap3A_140 = vector.shape_cast %swap3A_139 : vector<1x17x192xf32> to vector<17x192xf32>
    %swap3A_141 = vector.shape_cast %add3A_135 : vector<17x192xf32> to vector<1x17x192xf32>
    tpu.vector_store %arg6[%swap3A_136, %swap3A_137, %swap3A_138], %swap3A_141 {strides = array<i32>} : memref<8x17x192xf32, #tpu.memory_space<vmem>>, vector<1x17x192xf32>,
    %get3A_142 = arith.constant 3 : index
    %get3A_143 = arith.constant 0 : index
    %get3A_144 = arith.constant 0 : index
    %get3A_145 = vector.load %arg1[%get3A_142, %get3A_143, %get3A_144] : memref<8x2176x128xi32, #tpu.memory_space<vmem>>, vector<1x2176x128xi32>
    %get3A_146 = vector.shape_cast %get3A_145 : vector<1x2176x128xi32> to vector<2176x128xi32>
    %bitcast_convert_type3A_147 = tpu.bitcast %get3A_146 : vector<2176x128xi32> -> vector<2176x128xi32>
    %shift_left3A_148 = arith.constant 16 : i32
    %shift_left3A_149 = vector.broadcast %shift_left3A_148 : i32 to vector<2176x128xi32>
    %shift_left3A_150 = arith.shli %bitcast_convert_type3A_147, %shift_left3A_149 : vector<2176x128xi32>
    %bitcast_convert_type3A_151 = tpu.bitcast %shift_left3A_150 : vector<2176x128xi32> -> vector<2176x128xf32>
    %and3A_152 = arith.constant -65536 : i32
    %and3A_153 = vector.broadcast %and3A_152 : i32 to vector<2176x128xi32>
    %and3A_154 = arith.andi %bitcast_convert_type3A_147, %and3A_153 : vector<2176x128xi32>
    %bitcast_convert_type3A_155 = tpu.bitcast %and3A_154 : vector<2176x128xi32> -> vector<2176x128xf32>
    %get3A_156 = arith.constant 0 : index
    %get3A_157 = arith.constant 0 : index
    %get3A_158 = vector.load %arg3[%get3A_156, %get3A_157] : memref<17x2176xf32, #tpu.memory_space<vmem>>, vector<17x2176xf32>
    %get3A_159 = arith.constant 3 : index
    %get3A_160 = arith.constant 0 : index
    %get3A_161 = arith.constant 0 : index
    %get3A_162 = vector.load %arg2[%get3A_159, %get3A_160, %get3A_161] : memref<8x1x2176xf32, #tpu.memory_space<vmem>>, vector<1x1x2176xf32>
    %get3A_163 = vector.shape_cast %get3A_162 : vector<1x1x2176xf32> to vector<1x2176xf32>
    %mul3A_164 = vector.broadcast %get3A_163 : vector<1x2176xf32> to vector<17x2176xf32>
    %mul3A_165 = arith.mulf %get3A_158, %mul3A_164 : vector<17x2176xf32>
    %dot_general3A_166 = arith.constant dense<0.000000e+00> : vector<17x128xf32>
    %dot_general3A_167 = tpu.matmul %mul3A_165, %bitcast_convert_type3A_151, %dot_general3A_166 {dimension_numbers = #tpu.dot_dimension_numbers<[1], [0], [0], [1], [0, 0, 1, 1], [], []>, transpose_lhs_hint = false} : vector<17x2176xf32>, vector<2176x128xf32>, vector<17x128xf32> -> vector<17x128xf32>
    %dot_general3A_168 = arith.constant dense<0.000000e+00> : vector<17x128xf32>
    %dot_general3A_169 = tpu.matmul %mul3A_165, %bitcast_convert_type3A_155, %dot_general3A_168 {dimension_numbers = #tpu.dot_dimension_numbers<[1], [0], [0], [1], [0, 0, 1, 1], [], []>, transpose_lhs_hint = false} : vector<17x2176xf32>, vector<2176x128xf32>, vector<17x128xf32> -> vector<17x128xf32>
    %get3A_170 = arith.constant 0 : index
    %get3A_171 = arith.constant 0 : index
    %get3A_172 = vector.load %arg4[%get3A_170, %get3A_171] : memref<256x192xf32, #tpu.memory_space<vmem>>, vector<128x192xf32>
    %dot_general3A_173 = arith.constant dense<0.000000e+00> : vector<17x192xf32>
    %dot_general3A_174 = tpu.matmul %dot_general3A_167, %get3A_172, %dot_general3A_173 {dimension_numbers = #tpu.dot_dimension_numbers<[1], [0], [0], [1], [0, 0, 1, 1], [], []>, transpose_lhs_hint = false} : vector<17x128xf32>, vector<128x192xf32>, vector<17x192xf32> -> vector<17x192xf32>
    %get3A_175 = arith.constant 128 : index
    %get3A_176 = arith.constant 0 : index
    %get3A_177 = vector.load %arg4[%get3A_175, %get3A_176] : memref<256x192xf32, #tpu.memory_space<vmem>>, vector<128x192xf32>
    %dot_general3A_178 = arith.constant dense<0.000000e+00> : vector<17x192xf32>
    %dot_general3A_179 = tpu.matmul %dot_general3A_169, %get3A_177, %dot_general3A_178 {dimension_numbers = #tpu.dot_dimension_numbers<[1], [0], [0], [1], [0, 0, 1, 1], [], []>, transpose_lhs_hint = false} : vector<17x128xf32>, vector<128x192xf32>, vector<17x192xf32> -> vector<17x192xf32>
    %add3A_180 = arith.addf %dot_general3A_174, %dot_general3A_179 : vector<17x192xf32>
    %get3A_181 = arith.constant 0 : index
    %get3A_182 = arith.constant 0 : index
    %get3A_183 = vector.load %arg5[%get3A_181, %get3A_182] : memref<1x192xf32, #tpu.memory_space<vmem>>, vector<1x192xf32>
    %add3A_184 = vector.broadcast %get3A_183 : vector<1x192xf32> to vector<17x192xf32>
    %add3A_185 = arith.addf %add3A_180, %add3A_184 : vector<17x192xf32>
    %swap3A_186 = arith.constant 3 : index
    %swap3A_187 = arith.constant 0 : index
    %swap3A_188 = arith.constant 0 : index
    %swap3A_189 = vector.load %arg6[%swap3A_186, %swap3A_187, %swap3A_188] : memref<8x17x192xf32, #tpu.memory_space<vmem>>, vector<1x17x192xf32>
    %swap3A_190 = vector.shape_cast %swap3A_189 : vector<1x17x192xf32> to vector<17x192xf32>
    %swap3A_191 = vector.shape_cast %add3A_185 : vector<17x192xf32> to vector<1x17x192xf32>
    tpu.vector_store %arg6[%swap3A_186, %swap3A_187, %swap3A_188], %swap3A_191 {strides = array<i32>} : memref<8x17x192xf32, #tpu.memory_space<vmem>>, vector<1x17x192xf32>,
    %get3A_192 = arith.constant 4 : index
    %get3A_193 = arith.constant 0 : index
    %get3A_194 = arith.constant 0 : index
    %get3A_195 = vector.load %arg1[%get3A_192, %get3A_193, %get3A_194] : memref<8x2176x128xi32, #tpu.memory_space<vmem>>, vector<1x2176x128xi32>
    %get3A_196 = vector.shape_cast %get3A_195 : vector<1x2176x128xi32> to vector<2176x128xi32>
    %bitcast_convert_type3A_197 = tpu.bitcast %get3A_196 : vector<2176x128xi32> -> vector<2176x128xi32>
    %shift_left3A_198 = arith.constant 16 : i32
    %shift_left3A_199 = vector.broadcast %shift_left3A_198 : i32 to vector<2176x128xi32>
    %shift_left3A_200 = arith.shli %bitcast_convert_type3A_197, %shift_left3A_199 : vector<2176x128xi32>
    %bitcast_convert_type3A_201 = tpu.bitcast %shift_left3A_200 : vector<2176x128xi32> -> vector<2176x128xf32>
    %and3A_202 = arith.constant -65536 : i32
    %and3A_203 = vector.broadcast %and3A_202 : i32 to vector<2176x128xi32>
    %and3A_204 = arith.andi %bitcast_convert_type3A_197, %and3A_203 : vector<2176x128xi32>
    %bitcast_convert_type3A_205 = tpu.bitcast %and3A_204 : vector<2176x128xi32> -> vector<2176x128xf32>
    %get3A_206 = arith.constant 0 : index
    %get3A_207 = arith.constant 0 : index
    %get3A_208 = vector.load %arg3[%get3A_206, %get3A_207] : memref<17x2176xf32, #tpu.memory_space<vmem>>, vector<17x2176xf32>
    %get3A_209 = arith.constant 4 : index
    %get3A_210 = arith.constant 0 : index
    %get3A_211 = arith.constant 0 : index
    %get3A_212 = vector.load %arg2[%get3A_209, %get3A_210, %get3A_211] : memref<8x1x2176xf32, #tpu.memory_space<vmem>>, vector<1x1x2176xf32>
    %get3A_213 = vector.shape_cast %get3A_212 : vector<1x1x2176xf32> to vector<1x2176xf32>
    %mul3A_214 = vector.broadcast %get3A_213 : vector<1x2176xf32> to vector<17x2176xf32>
    %mul3A_215 = arith.mulf %get3A_208, %mul3A_214 : vector<17x2176xf32>
    %dot_general3A_216 = arith.constant dense<0.000000e+00> : vector<17x128xf32>
    %dot_general3A_217 = tpu.matmul %mul3A_215, %bitcast_convert_type3A_201, %dot_general3A_216 {dimension_numbers = #tpu.dot_dimension_numbers<[1], [0], [0], [1], [0, 0, 1, 1], [], []>, transpose_lhs_hint = false} : vector<17x2176xf32>, vector<2176x128xf32>, vector<17x128xf32> -> vector<17x128xf32>
    %dot_general3A_218 = arith.constant dense<0.000000e+00> : vector<17x128xf32>
    %dot_general3A_219 = tpu.matmul %mul3A_215, %bitcast_convert_type3A_205, %dot_general3A_218 {dimension_numbers = #tpu.dot_dimension_numbers<[1], [0], [0], [1], [0, 0, 1, 1], [], []>, transpose_lhs_hint = false} : vector<17x2176xf32>, vector<2176x128xf32>, vector<17x128xf32> -> vector<17x128xf32>
    %get3A_220 = arith.constant 0 : index
    %get3A_221 = arith.constant 0 : index
    %get3A_222 = vector.load %arg4[%get3A_220, %get3A_221] : memref<256x192xf32, #tpu.memory_space<vmem>>, vector<128x192xf32>
    %dot_general3A_223 = arith.constant dense<0.000000e+00> : vector<17x192xf32>
    %dot_general3A_224 = tpu.matmul %dot_general3A_217, %get3A_222, %dot_general3A_223 {dimension_numbers = #tpu.dot_dimension_numbers<[1], [0], [0], [1], [0, 0, 1, 1], [], []>, transpose_lhs_hint = false} : vector<17x128xf32>, vector<128x192xf32>, vector<17x192xf32> -> vector<17x192xf32>
    %get3A_225 = arith.constant 128 : index
    %get3A_226 = arith.constant 0 : index
    %get3A_227 = vector.load %arg4[%get3A_225, %get3A_226] : memref<256x192xf32, #tpu.memory_space<vmem>>, vector<128x192xf32>
    %dot_general3A_228 = arith.constant dense<0.000000e+00> : vector<17x192xf32>
    %dot_general3A_229 = tpu.matmul %dot_general3A_219, %get3A_227, %dot_general3A_228 {dimension_numbers = #tpu.dot_dimension_numbers<[1], [0], [0], [1], [0, 0, 1, 1], [], []>, transpose_lhs_hint = false} : vector<17x128xf32>, vector<128x192xf32>, vector<17x192xf32> -> vector<17x192xf32>
    %add3A_230 = arith.addf %dot_general3A_224, %dot_general3A_229 : vector<17x192xf32>
    %get3A_231 = arith.constant 0 : index
    %get3A_232 = arith.constant 0 : index
    %get3A_233 = vector.load %arg5[%get3A_231, %get3A_232] : memref<1x192xf32, #tpu.memory_space<vmem>>, vector<1x192xf32>
    %add3A_234 = vector.broadcast %get3A_233 : vector<1x192xf32> to vector<17x192xf32>
    %add3A_235 = arith.addf %add3A_230, %add3A_234 : vector<17x192xf32>
    %swap3A_236 = arith.constant 4 : index
    %swap3A_237 = arith.constant 0 : index
    %swap3A_238 = arith.constant 0 : index
    %swap3A_239 = vector.load %arg6[%swap3A_236, %swap3A_237, %swap3A_238] : memref<8x17x192xf32, #tpu.memory_space<vmem>>, vector<1x17x192xf32>
    %swap3A_240 = vector.shape_cast %swap3A_239 : vector<1x17x192xf32> to vector<17x192xf32>
    %swap3A_241 = vector.shape_cast %add3A_235 : vector<17x192xf32> to vector<1x17x192xf32>
    tpu.vector_store %arg6[%swap3A_236, %swap3A_237, %swap3A_238], %swap3A_241 {strides = array<i32>} : memref<8x17x192xf32, #tpu.memory_space<vmem>>, vector<1x17x192xf32>,
    %get3A_242 = arith.constant 5 : index
    %get3A_243 = arith.constant 0 : index
    %get3A_244 = arith.constant 0 : index
    %get3A_245 = vector.load %arg1[%get3A_242, %get3A_243, %get3A_244] : memref<8x2176x128xi32, #tpu.memory_space<vmem>>, vector<1x2176x128xi32>
    %get3A_246 = vector.shape_cast %get3A_245 : vector<1x2176x128xi32> to vector<2176x128xi32>
    %bitcast_convert_type3A_247 = tpu.bitcast %get3A_246 : vector<2176x128xi32> -> vector<2176x128xi32>
    %shift_left3A_248 = arith.constant 16 : i32
    %shift_left3A_249 = vector.broadcast %shift_left3A_248 : i32 to vector<2176x128xi32>
    %shift_left3A_250 = arith.shli %bitcast_convert_type3A_247, %shift_left3A_249 : vector<2176x128xi32>
    %bitcast_convert_type3A_251 = tpu.bitcast %shift_left3A_250 : vector<2176x128xi32> -> vector<2176x128xf32>
    %and3A_252 = arith.constant -65536 : i32
    %and3A_253 = vector.broadcast %and3A_252 : i32 to vector<2176x128xi32>
    %and3A_254 = arith.andi %bitcast_convert_type3A_247, %and3A_253 : vector<2176x128xi32>
    %bitcast_convert_type3A_255 = tpu.bitcast %and3A_254 : vector<2176x128xi32> -> vector<2176x128xf32>
    %get3A_256 = arith.constant 0 : index
    %get3A_257 = arith.constant 0 : index
    %get3A_258 = vector.load %arg3[%get3A_256, %get3A_257] : memref<17x2176xf32, #tpu.memory_space<vmem>>, vector<17x2176xf32>
    %get3A_259 = arith.constant 5 : index
    %get3A_260 = arith.constant 0 : index
    %get3A_261 = arith.constant 0 : index
    %get3A_262 = vector.load %arg2[%get3A_259, %get3A_260, %get3A_261] : memref<8x1x2176xf32, #tpu.memory_space<vmem>>, vector<1x1x2176xf32>
    %get3A_263 = vector.shape_cast %get3A_262 : vector<1x1x2176xf32> to vector<1x2176xf32>
    %mul3A_264 = vector.broadcast %get3A_263 : vector<1x2176xf32> to vector<17x2176xf32>
    %mul3A_265 = arith.mulf %get3A_258, %mul3A_264 : vector<17x2176xf32>
    %dot_general3A_266 = arith.constant dense<0.000000e+00> : vector<17x128xf32>
    %dot_general3A_267 = tpu.matmul %mul3A_265, %bitcast_convert_type3A_251, %dot_general3A_266 {dimension_numbers = #tpu.dot_dimension_numbers<[1], [0], [0], [1], [0, 0, 1, 1], [], []>, transpose_lhs_hint = false} : vector<17x2176xf32>, vector<2176x128xf32>, vector<17x128xf32> -> vector<17x128xf32>
    %dot_general3A_268 = arith.constant dense<0.000000e+00> : vector<17x128xf32>
    %dot_general3A_269 = tpu.matmul %mul3A_265, %bitcast_convert_type3A_255, %dot_general3A_268 {dimension_numbers = #tpu.dot_dimension_numbers<[1], [0], [0], [1], [0, 0, 1, 1], [], []>, transpose_lhs_hint = false} : vector<17x2176xf32>, vector<2176x128xf32>, vector<17x128xf32> -> vector<17x128xf32>
    %get3A_270 = arith.constant 0 : index
    %get3A_271 = arith.constant 0 : index
    %get3A_272 = vector.load %arg4[%get3A_270, %get3A_271] : memref<256x192xf32, #tpu.memory_space<vmem>>, vector<128x192xf32>
    %dot_general3A_273 = arith.constant dense<0.000000e+00> : vector<17x192xf32>
    %dot_general3A_274 = tpu.matmul %dot_general3A_267, %get3A_272, %dot_general3A_273 {dimension_numbers = #tpu.dot_dimension_numbers<[1], [0], [0], [1], [0, 0, 1, 1], [], []>, transpose_lhs_hint = false} : vector<17x128xf32>, vector<128x192xf32>, vector<17x192xf32> -> vector<17x192xf32>
    %get3A_275 = arith.constant 128 : index
    %get3A_276 = arith.constant 0 : index
    %get3A_277 = vector.load %arg4[%get3A_275, %get3A_276] : memref<256x192xf32, #tpu.memory_space<vmem>>, vector<128x192xf32>
    %dot_general3A_278 = arith.constant dense<0.000000e+00> : vector<17x192xf32>
    %dot_general3A_279 = tpu.matmul %dot_general3A_269, %get3A_277, %dot_general3A_278 {dimension_numbers = #tpu.dot_dimension_numbers<[1], [0], [0], [1], [0, 0, 1, 1], [], []>, transpose_lhs_hint = false} : vector<17x128xf32>, vector<128x192xf32>, vector<17x192xf32> -> vector<17x192xf32>
    %add3A_280 = arith.addf %dot_general3A_274, %dot_general3A_279 : vector<17x192xf32>
    %get3A_281 = arith.constant 0 : index
    %get3A_282 = arith.constant 0 : index
    %get3A_283 = vector.load %arg5[%get3A_281, %get3A_282] : memref<1x192xf32, #tpu.memory_space<vmem>>, vector<1x192xf32>
    %add3A_284 = vector.broadcast %get3A_283 : vector<1x192xf32> to vector<17x192xf32>
    %add3A_285 = arith.addf %add3A_280, %add3A_284 : vector<17x192xf32>
    %swap3A_286 = arith.constant 5 : index
    %swap3A_287 = arith.constant 0 : index
    %swap3A_288 = arith.constant 0 : index
    %swap3A_289 = vector.load %arg6[%swap3A_286, %swap3A_287, %swap3A_288] : memref<8x17x192xf32, #tpu.memory_space<vmem>>, vector<1x17x192xf32>
    %swap3A_290 = vector.shape_cast %swap3A_289 : vector<1x17x192xf32> to vector<17x192xf32>
    %swap3A_291 = vector.shape_cast %add3A_285 : vector<17x192xf32> to vector<1x17x192xf32>
    tpu.vector_store %arg6[%swap3A_286, %swap3A_287, %swap3A_288], %swap3A_291 {strides = array<i32>} : memref<8x17x192xf32, #tpu.memory_space<vmem>>, vector<1x17x192xf32>,
    %get3A_292 = arith.constant 6 : index
    %get3A_293 = arith.constant 0 : index
    %get3A_294 = arith.constant 0 : index
    %get3A_295 = vector.load %arg1[%get3A_292, %get3A_293, %get3A_294] : memref<8x2176x128xi32, #tpu.memory_space<vmem>>, vector<1x2176x128xi32>
    %get3A_296 = vector.shape_cast %get3A_295 : vector<1x2176x128xi32> to vector<2176x128xi32>
    %bitcast_convert_type3A_297 = tpu.bitcast %get3A_296 : vector<2176x128xi32> -> vector<2176x128xi32>
    %shift_left3A_298 = arith.constant 16 : i32
    %shift_left3A_299 = vector.broadcast %shift_left3A_298 : i32 to vector<2176x128xi32>
    %shift_left3A_300 = arith.shli %bitcast_convert_type3A_297, %shift_left3A_299 : vector<2176x128xi32>
    %bitcast_convert_type3A_301 = tpu.bitcast %shift_left3A_300 : vector<2176x128xi32> -> vector<2176x128xf32>
    %and3A_302 = arith.constant -65536 : i32
    %and3A_303 = vector.broadcast %and3A_302 : i32 to vector<2176x128xi32>
    %and3A_304 = arith.andi %bitcast_convert_type3A_297, %and3A_303 : vector<2176x128xi32>
    %bitcast_convert_type3A_305 = tpu.bitcast %and3A_304 : vector<2176x128xi32> -> vector<2176x128xf32>
    %get3A_306 = arith.constant 0 : index
    %get3A_307 = arith.constant 0 : index
    %get3A_308 = vector.load %arg3[%get3A_306, %get3A_307] : memref<17x2176xf32, #tpu.memory_space<vmem>>, vector<17x2176xf32>
    %get3A_309 = arith.constant 6 : index
    %get3A_310 = arith.constant 0 : index
    %get3A_311 = arith.constant 0 : index
    %get3A_312 = vector.load %arg2[%get3A_309, %get3A_310, %get3A_311] : memref<8x1x2176xf32, #tpu.memory_space<vmem>>, vector<1x1x2176xf32>
    %get3A_313 = vector.shape_cast %get3A_312 : vector<1x1x2176xf32> to vector<1x2176xf32>
    %mul3A_314 = vector.broadcast %get3A_313 : vector<1x2176xf32> to vector<17x2176xf32>
    %mul3A_315 = arith.mulf %get3A_308, %mul3A_314 : vector<17x2176xf32>
    %dot_general3A_316 = arith.constant dense<0.000000e+00> : vector<17x128xf32>
    %dot_general3A_317 = tpu.matmul %mul3A_315, %bitcast_convert_type3A_301, %dot_general3A_316 {dimension_numbers = #tpu.dot_dimension_numbers<[1], [0], [0], [1], [0, 0, 1, 1], [], []>, transpose_lhs_hint = false} : vector<17x2176xf32>, vector<2176x128xf32>, vector<17x128xf32> -> vector<17x128xf32>
    %dot_general3A_318 = arith.constant dense<0.000000e+00> : vector<17x128xf32>
    %dot_general3A_319 = tpu.matmul %mul3A_315, %bitcast_convert_type3A_305, %dot_general3A_318 {dimension_numbers = #tpu.dot_dimension_numbers<[1], [0], [0], [1], [0, 0, 1, 1], [], []>, transpose_lhs_hint = false} : vector<17x2176xf32>, vector<2176x128xf32>, vector<17x128xf32> -> vector<17x128xf32>
    %get3A_320 = arith.constant 0 : index
    %get3A_321 = arith.constant 0 : index
    %get3A_322 = vector.load %arg4[%get3A_320, %get3A_321] : memref<256x192xf32, #tpu.memory_space<vmem>>, vector<128x192xf32>
    %dot_general3A_323 = arith.constant dense<0.000000e+00> : vector<17x192xf32>
    %dot_general3A_324 = tpu.matmul %dot_general3A_317, %get3A_322, %dot_general3A_323 {dimension_numbers = #tpu.dot_dimension_numbers<[1], [0], [0], [1], [0, 0, 1, 1], [], []>, transpose_lhs_hint = false} : vector<17x128xf32>, vector<128x192xf32>, vector<17x192xf32> -> vector<17x192xf32>
    %get3A_325 = arith.constant 128 : index
    %get3A_326 = arith.constant 0 : index
    %get3A_327 = vector.load %arg4[%get3A_325, %get3A_326] : memref<256x192xf32, #tpu.memory_space<vmem>>, vector<128x192xf32>
    %dot_general3A_328 = arith.constant dense<0.000000e+00> : vector<17x192xf32>
    %dot_general3A_329 = tpu.matmul %dot_general3A_319, %get3A_327, %dot_general3A_328 {dimension_numbers = #tpu.dot_dimension_numbers<[1], [0], [0], [1], [0, 0, 1, 1], [], []>, transpose_lhs_hint = false} : vector<17x128xf32>, vector<128x192xf32>, vector<17x192xf32> -> vector<17x192xf32>
    %add3A_330 = arith.addf %dot_general3A_324, %dot_general3A_329 : vector<17x192xf32>
    %get3A_331 = arith.constant 0 : index
    %get3A_332 = arith.constant 0 : index
    %get3A_333 = vector.load %arg5[%get3A_331, %get3A_332] : memref<1x192xf32, #tpu.memory_space<vmem>>, vector<1x192xf32>
    %add3A_334 = vector.broadcast %get3A_333 : vector<1x192xf32> to vector<17x192xf32>
    %add3A_335 = arith.addf %add3A_330, %add3A_334 : vector<17x192xf32>
    %swap3A_336 = arith.constant 6 : index
    %swap3A_337 = arith.constant 0 : index
    %swap3A_338 = arith.constant 0 : index
    %swap3A_339 = vector.load %arg6[%swap3A_336, %swap3A_337, %swap3A_338] : memref<8x17x192xf32, #tpu.memory_space<vmem>>, vector<1x17x192xf32>
    %swap3A_340 = vector.shape_cast %swap3A_339 : vector<1x17x192xf32> to vector<17x192xf32>
    %swap3A_341 = vector.shape_cast %add3A_335 : vector<17x192xf32> to vector<1x17x192xf32>
    tpu.vector_store %arg6[%swap3A_336, %swap3A_337, %swap3A_338], %swap3A_341 {strides = array<i32>} : memref<8x17x192xf32, #tpu.memory_space<vmem>>, vector<1x17x192xf32>,
    %get3A_342 = arith.constant 7 : index
    %get3A_343 = arith.constant 0 : index
    %get3A_344 = arith.constant 0 : index
    %get3A_345 = vector.load %arg1[%get3A_342, %get3A_343, %get3A_344] : memref<8x2176x128xi32, #tpu.memory_space<vmem>>, vector<1x2176x128xi32>
    %get3A_346 = vector.shape_cast %get3A_345 : vector<1x2176x128xi32> to vector<2176x128xi32>
    %bitcast_convert_type3A_347 = tpu.bitcast %get3A_346 : vector<2176x128xi32> -> vector<2176x128xi32>
    %shift_left3A_348 = arith.constant 16 : i32
    %shift_left3A_349 = vector.broadcast %shift_left3A_348 : i32 to vector<2176x128xi32>
    %shift_left3A_350 = arith.shli %bitcast_convert_type3A_347, %shift_left3A_349 : vector<2176x128xi32>
    %bitcast_convert_type3A_351 = tpu.bitcast %shift_left3A_350 : vector<2176x128xi32> -> vector<2176x128xf32>
    %and3A_352 = arith.constant -65536 : i32
    %and3A_353 = vector.broadcast %and3A_352 : i32 to vector<2176x128xi32>
    %and3A_354 = arith.andi %bitcast_convert_type3A_347, %and3A_353 : vector<2176x128xi32>
    %bitcast_convert_type3A_355 = tpu.bitcast %and3A_354 : vector<2176x128xi32> -> vector<2176x128xf32>
    %get3A_356 = arith.constant 0 : index
    %get3A_357 = arith.constant 0 : index
    %get3A_358 = vector.load %arg3[%get3A_356, %get3A_357] : memref<17x2176xf32, #tpu.memory_space<vmem>>, vector<17x2176xf32>
    %get3A_359 = arith.constant 7 : index
    %get3A_360 = arith.constant 0 : index
    %get3A_361 = arith.constant 0 : index
    %get3A_362 = vector.load %arg2[%get3A_359, %get3A_360, %get3A_361] : memref<8x1x2176xf32, #tpu.memory_space<vmem>>, vector<1x1x2176xf32>
    %get3A_363 = vector.shape_cast %get3A_362 : vector<1x1x2176xf32> to vector<1x2176xf32>
    %mul3A_364 = vector.broadcast %get3A_363 : vector<1x2176xf32> to vector<17x2176xf32>
    %mul3A_365 = arith.mulf %get3A_358, %mul3A_364 : vector<17x2176xf32>
    %dot_general3A_366 = arith.constant dense<0.000000e+00> : vector<17x128xf32>
    %dot_general3A_367 = tpu.matmul %mul3A_365, %bitcast_convert_type3A_351, %dot_general3A_366 {dimension_numbers = #tpu.dot_dimension_numbers<[1], [0], [0], [1], [0, 0, 1, 1], [], []>, transpose_lhs_hint = false} : vector<17x2176xf32>, vector<2176x128xf32>, vector<17x128xf32> -> vector<17x128xf32>
    %dot_general3A_368 = arith.constant dense<0.000000e+00> : vector<17x128xf32>
    %dot_general3A_369 = tpu.matmul %mul3A_365, %bitcast_convert_type3A_355, %dot_general3A_368 {dimension_numbers = #tpu.dot_dimension_numbers<[1], [0], [0], [1], [0, 0, 1, 1], [], []>, transpose_lhs_hint = false} : vector<17x2176xf32>, vector<2176x128xf32>, vector<17x128xf32> -> vector<17x128xf32>
    %get3A_370 = arith.constant 0 : index
    %get3A_371 = arith.constant 0 : index
    %get3A_372 = vector.load %arg4[%get3A_370, %get3A_371] : memref<256x192xf32, #tpu.memory_space<vmem>>, vector<128x192xf32>
    %dot_general3A_373 = arith.constant dense<0.000000e+00> : vector<17x192xf32>
    %dot_general3A_374 = tpu.matmul %dot_general3A_367, %get3A_372, %dot_general3A_373 {dimension_numbers = #tpu.dot_dimension_numbers<[1], [0], [0], [1], [0, 0, 1, 1], [], []>, transpose_lhs_hint = false} : vector<17x128xf32>, vector<128x192xf32>, vector<17x192xf32> -> vector<17x192xf32>
    %get3A_375 = arith.constant 128 : index
    %get3A_376 = arith.constant 0 : index
    %get3A_377 = vector.load %arg4[%get3A_375, %get3A_376] : memref<256x192xf32, #tpu.memory_space<vmem>>, vector<128x192xf32>
    %dot_general3A_378 = arith.constant dense<0.000000e+00> : vector<17x192xf32>
    %dot_general3A_379 = tpu.matmul %dot_general3A_369, %get3A_377, %dot_general3A_378 {dimension_numbers = #tpu.dot_dimension_numbers<[1], [0], [0], [1], [0, 0, 1, 1], [], []>, transpose_lhs_hint = false} : vector<17x128xf32>, vector<128x192xf32>, vector<17x192xf32> -> vector<17x192xf32>
    %add3A_380 = arith.addf %dot_general3A_374, %dot_general3A_379 : vector<17x192xf32>
    %get3A_381 = arith.constant 0 : index
    %get3A_382 = arith.constant 0 : index
    %get3A_383 = vector.load %arg5[%get3A_381, %get3A_382] : memref<1x192xf32, #tpu.memory_space<vmem>>, vector<1x192xf32>
    %add3A_384 = vector.broadcast %get3A_383 : vector<1x192xf32> to vector<17x192xf32>
    %add3A_385 = arith.addf %add3A_380, %add3A_384 : vector<17x192xf32>
    %swap3A_386 = arith.constant 7 : index
    %swap3A_387 = arith.constant 0 : index
    %swap3A_388 = arith.constant 0 : index
    %swap3A_389 = vector.load %arg6[%swap3A_386, %swap3A_387, %swap3A_388] : memref<8x17x192xf32, #tpu.memory_space<vmem>>, vector<1x17x192xf32>
    %swap3A_390 = vector.shape_cast %swap3A_389 : vector<1x17x192xf32> to vector<17x192xf32>
    %swap3A_391 = vector.shape_cast %add3A_385 : vector<17x192xf32> to vector<1x17x192xf32>
    tpu.vector_store %arg6[%swap3A_386, %swap3A_387, %swap3A_388], %swap3A_391 {strides = array<i32>} : memref<8x17x192xf32, #tpu.memory_space<vmem>>, vector<1x17x192xf32>,
    return
  }
  func.func @transform_0(%arg0: i32) -> (i32, i32, i32) {
    %c0_i32 = arith.constant 0 : i32
    %c0_i32_0 = arith.constant 0 : i32
    %c0_i32_1 = arith.constant 0 : i32
    return %arg0, %c0_i32, %c0_i32_0 : i32, i32, i32
  }
  func.func @transform_1(%arg0: i32) -> (i32, i32, i32) {
    %c0_i32 = arith.constant 0 : i32
    %c0_i32_0 = arith.constant 0 : i32
    %c0_i32_1 = arith.constant 0 : i32
    return %arg0, %c0_i32, %c0_i32_0 : i32, i32, i32
  }
  func.func @transform_2(%arg0: i32) -> (i32, i32) {
    %c0_i32 = arith.constant 0 : i32
    %c0_i32_0 = arith.constant 0 : i32
    %c0_i32_1 = arith.constant 0 : i32
    return %c0_i32, %c0_i32_0 : i32, i32
  }
  func.func @transform_3(%arg0: i32) -> (i32, i32) {
    %c0_i32 = arith.constant 0 : i32
    %c0_i32_0 = arith.constant 0 : i32
    %c0_i32_1 = arith.constant 0 : i32
    return %c0_i32, %c0_i32_0 : i32, i32
  }
  func.func @transform_4(%arg0: i32) -> (i32, i32) {
    %c0_i32 = arith.constant 0 : i32
    %c0_i32_0 = arith.constant 0 : i32
    %c0_i32_1 = arith.constant 0 : i32
    return %c0_i32, %c0_i32_0 : i32, i32
  }
  func.func @transform_5(%arg0: i32) -> (i32, i32, i32) {
    %c0_i32 = arith.constant 0 : i32
    %c0_i32_0 = arith.constant 0 : i32
    %c0_i32_1 = arith.constant 0 : i32
    return %arg0, %c0_i32, %c0_i32_0 : i32, i32, i32
  }
}

</mosaic_0001>

<sc_bundles>
// kernel: kernel.5.cloned.1.call-start
scs
__scs_entry_jumppad:
0x0: {  	(pc) =	sbr.rel $0x88, $3  }
0x1: {  	(tag) =	ssettag $0x0;
	lr =	simm.s32 $0x1  }
0x2: {  	[smem:$0x3F99] =	sst lr;
	_ =	strace $0xD0000000  }
0x3: {  	_ = 	snop  }
0x4: {  	_ = 	snop  }
0x5: {  	_ = 	snop  }
0x6: {  	_ = 	snop  }
0x7: {  	_ = 	snop  }
__scs_overlays_trampoline_lowered:
0x8: {  	[smem:$0x3FA8] =	sst s0  }
0x9: {  	[smem:$0x3FA9] =	sst s1  }
0xa: {  	[smem:$0x3FAA] =	sst s2  }
0xb: {  	[smem:$0x3FAB] =	sst s3  }
0xc: {  	[smem:$0x3FAC] =	sst s4  }
0xd: {  	[smem:$0x3FAD] =	sst s5  }
0xe: {  	[smem:$0x3FAE] =	sst s6  }
0xf: {  	[smem:$0x3FAF] =	sst s7  }
0x10: {  	[smem:$0x3FB0] =	sst s8  }
0x11: {  	[smem:$0x3FB1] =	sst s9;
	s0 =	simm.s32 @!p0 $0x0  }
0x12: {  	s1 =	sld [smem:$0x3F97];
	s0 =	simm.s32 @p0 $0x1  }
0x13: {  	[smem:$0x3FB2] =	sst s0;
	s0 =	simm.s32 @!p1 $0x0  }
0x14: {  	s2 =	sld [smem:$0x3F96];
	s0 =	simm.s32 @p1 $0x1  }
0x15: {  	[smem:$0x3FB3] =	sst s0;
	s0 =	simm.s32 @!p2 $0x0  }
0x16: {  	s3 =	sld [smem:$0x3FDB];
	s0 =	simm.s32 @p2 $0x1  }
0x17: {  	s4 =	simm.s32 $0x1BF5;
	[smem:$0x3FB5] =	sst s0  }
0x18: {  	s0 =	sld [smem:$0x3F98];
	_ =	swait.ge [sflag:s4], $0x0  }
0x19: {  	s7 =	sld [smem:$0x3F99]  }
0x1a: {  	s8 =	sadd.s32 $0xFFFFE003, lr  }
0x1b: {  	s9 =	sadd.s32 $0xFFFFFEF7, lr;
	s5 =	simm.s32 $0xFFFFFFFF;
	p2 =	slt.u32 s8, $0xFFFFF086  }
0x1c: {  	p1 =	slt.u32 s9, $0xF7A;
	s5 =	simm.s32 @!p2 $0x0  }
0x1d: {  	s5 =	simm.s32 @p1 $0x1;
	p0 =	seq.s32 s7, s2  }
0x1e: {  	s7 =	smul.u32 @!p0 $0xF7A, s2;
	p2 =	seq.s32 @!p0 s5, $0x0  }
0x1f: {  	s9 =	smul.u32 $0xF7A, s1;
	s8 =	simm.s32 @!p0 $0x1BF5;
	p2 =	por !p2, p0  }
0x20: {  	[sflag:s8] =	ssyncset.s32 @!p0 $0xFFFFF086;
	s6 =	sadd.s32 @!p0 s3, s7;
	s7 =	simm.s32 @!p0 $0x108  }
0x21: {  	s3 =	sadd.s32 s3, s9;
	s6 =	sadd.s32 @!p0 $0x88, s6;
	s7 =	simm.s32 @p2 $0x1082  }
0x22: {  	[simem:s7], [sflag:s8] =	dma.local @!p0 [hbm:s6], $0xF7A  }
0x23: {  	s9 =	sor.u32 $0xD0000000, s2;
	s6 =	simm.s32 $0x108;
	_ =	swait.ge @!p0 [sflag:s8], $0x0  }
0x24: {  	s3 =	sadd.s32 $0x88, s3;
	s6 =	simm.s32 @!p1 $0x1082;
	[sflag:s4] =	ssyncset.s32 $0xFFFFF086  }
0x25: {  	[simem:s6], [sflag:s4] =	dma.local [hbm:s3], $0xF7A  }
0x26: {  	[smem:$0x3F99] =	sst s1;
	(tag) =	ssettag s2;
	_ =	strace s9  }
0x27: {  	s1 =	sld [smem:$0x3FA9]  }
0x28: {  	s2 =	sld [smem:$0x3FAA]  }
0x29: {  	s4 =	sld [smem:$0x3FAC]  }
0x2a: {  	p0 =	seq.s32 s5, $0x0;
	s5 =	sld [smem:$0x3FAD]  }
0x2b: {  	s6 =	sld [smem:$0x3FAE]  }
0x2c: {  	s7 =	sld [smem:$0x3FAF]  }
0x2d: {  	s3 =	simm.s32 $0x108;
	s8 =	sld [smem:$0x3FB0]  }
0x2e: {  	s3 =	simm.s32 @!p0 $0x1082;
	s9 =	sld [smem:$0x3FB1]  }
0x2f: {  	lr =	sadd.s32 s0, s3;
	s0 =	sld [smem:$0x3FA8]  }
0x30: {  	s3 =	sld [smem:$0x3FAB]  }
0x31: {  	[smem:$0x3FB4] =	sst s10  }
0x32: {  	s10 =	sld [smem:$0x3FB2];
	_ =	sdelay $0x3  }
0x33: {  	p0 =	seq.s32 s10, $0x1;
	s10 =	sld [smem:$0x3FB4];
	_ =	sdelay $0x3  }
0x34: {  	[smem:$0x3FB4] =	sst s10  }
0x35: {  	s10 =	sld [smem:$0x3FB3];
	_ =	sdelay $0x3  }
0x36: {  	p1 =	seq.s32 s10, $0x1;
	s10 =	sld [smem:$0x3FB4];
	_ =	sdelay $0x3  }
0x37: {  	[smem:$0x3FB4] =	sst s10  }
0x38: {  	s10 =	sld [smem:$0x3FB5]  }
0x39: {  	_ = 	snop;
	(pc) =	sbr.ind lr, $3  }
0x3a: {  	_ = 	snop  }
0x3b: {  	_ = 	snop  }
0x3c: {  	p2 =	seq.s32 s10, $0x1;
	s10 =	sld [smem:$0x3FB4]  }
0x3d: {  	_ =	shalt  }
0x3e: {  	_ =	shalt  }
0x3f: {  	_ =	shalt  }
0x40: {  	_ =	shalt  }
0x41: {  	_ =	shalt  }
0x42: {  	_ =	shalt  }
0x43: {  	_ =	shalt  }
0x44: {  	_ =	shalt  }
0x45: {  	_ =	shalt  }
0x46: {  	_ =	shalt  }
0x47: {  	_ =	shalt  }
0x48: {  	_ =	shalt  }
0x49: {  	_ =	shalt  }
0x4a: {  	_ =	shalt  }
0x4b: {  	_ =	shalt  }
0x4c: {  	_ =	shalt  }
0x4d: {  	_ =	shalt  }
0x4e: {  	_ =	shalt  }
0x4f: {  	_ =	shalt  }
0x50: {  	_ =	shalt  }
0x51: {  	_ =	shalt  }
0x52: {  	_ =	shalt  }
0x53: {  	_ =	shalt  }
0x54: {  	_ =	shalt  }
0x55: {  	_ =	shalt  }
0x56: {  	_ =	shalt  }
0x57: {  	_ =	shalt  }
0x58: {  	_ =	shalt  }
0x59: {  	_ =	shalt  }
0x5a: {  	_ =	shalt  }
0x5b: {  	_ =	shalt  }
0x5c: {  	_ =	shalt  }
0x5d: {  	_ =	shalt  }
0x5e: {  	_ =	shalt  }
0x5f: {  	_ =	shalt  }
0x60: {  	_ =	shalt  }
0x61: {  	_ =	shalt  }
0x62: {  	_ =	shalt  }
0x63: {  	_ =	shalt  }
0x64: {  	_ =	shalt  }
0x65: {  	_ =	shalt  }
0x66: {  	_ =	shalt  }
0x67: {  	_ =	shalt  }
0x68: {  	_ =	shalt  }
0x69: {  	_ =	shalt  }
0x6a: {  	_ =	shalt  }
0x6b: {  	_ =	shalt  }
0x6c: {  	_ =	shalt  }
0x6d: {  	_ =	shalt  }
0x6e: {  	_ =	shalt  }
0x6f: {  	_ =	shalt  }
0x70: {  	_ =	shalt  }
0x71: {  	_ =	shalt  }
0x72: {  	_ =	shalt  }
0x73: {  	_ =	shalt  }
0x74: {  	_ =	shalt  }
0x75: {  	_ =	shalt  }
0x76: {  	_ =	shalt  }
0x77: {  	_ =	shalt  }
0x78: {  	_ =	shalt  }
0x79: {  	_ =	shalt  }
0x7a: {  	_ =	shalt  }
0x7b: {  	_ =	shalt  }
0x7c: {  	_ =	shalt  }
0x7d: {  	_ =	shalt  }
0x7e: {  	_ =	shalt  }
0x7f: {  	_ =	shalt  }
0x80: {  	_ =	shalt  }
0x81: {  	_ =	shalt  }
0x82: {  	_ =	shalt  }
0x83: {  	_ =	shalt  }
0x84: {  	_ =	shalt  }
0x85: {  	_ =	shalt  }
0x86: {  	_ =	shalt  }
0x87: {  	_ =	shalt  }
.Lfunc_end0:
.L_simem_size_0:
called_computation_lowered:
.L_overlay_start_0:
0x88: {  	s2 =	sld [smem:$0x3FD9]  }
0x89: {  	s3 =	sld [smem:$0x3FFE];
	_ =	sdelay $0x1  }
0x8a: {  	s1 =	srdreg.scid  }
0x8b: {  	s0 =	sand.u32 $0x1, s1  }
0x8c: {  	s17 =	sshll.u32 s0, $0xA;
	s2 =	sadd.s32 s3, s2  }
0x8d: {  	s2 =	sadd.s32 s2, s17  }
0x8e: {  	[smem:$0x3FC0] =	sst s2  }
0x8f: {  	_ = 	snop  }
0x90: {  	s2 =	sld [smem:$0x3FD0];
	(tm) =	ssettm $0x1  }
0x91: {  	s18 =	sld [smem:$0x3FFB];
	_ =	sdelay $0x3  }
0x92: {  	_ =	strace s18  }
0x93: {  	s3 =	sld [smem:$0x3FFC];
	_ =	sdelay $0x3  }
0x94: {  	_ =	strace s3  }
0x95: {  	s3 =	sld [smem:$0x3FFD];
	_ =	sdelay $0x3  }
0x96: {  	_ =	strace s3  }
0x97: {  	_ =	strace $0x8FFFFFFF  }
0x98: {  	s19 =	sld [smem:$0x3FDB];
	_ =	sdelay $0x1  }
0x99: {  	s4 =	simm.s32 $_scs_section_size  }
0x9a: {  	s5 =	simm.s32 $_size__tile_overlayer_lowered;
	s6 =	simm.s32 $_tile_overlayer_lowered  }
0x9b: {  	s22 =	simm.s32 $0x1BFF;
	s21 =	sshll.u32 s6, $0x1;
	s3 =	sadd.s32 s4, s19  }
0x9c: {  	s7 =	simm.s32 $0x0;
	s20 =	sshll.u32 s5, $0x1;
	s5 =	sadd.s32 s21, s3  }
0x9d: {  	[timem:s7], [sflag:s22] =	dma.local [hbm:s5], s20  }
0x9e: {  	_ =	swait.ge [sflag:s22], s20  }
0x9f: {  	s4 =	ssub.s32 $0x0, s20;
	[sflag:s22] =	ssyncset.done $0x0  }
0xa0: {  	[sflag:s22] =	ssyncadd.s32 s4;
	_ =	sdelay $0x1  }
0xa1: {  	s23 =	simm.s32 $0x1B8B  }
0xa2: {  	_ =	swait.ge [sflag:s23], $0x1  }
0xa3: {  	[sflag:s23] =	ssyncset.done $0x0  }
0xa4: {  	s25 =	simm.s32 $0x1B8E;
	s24 =	sld [smem:$0x3FFE];
	[sflag:s23] =	ssyncadd.s32 $0xFFFFFFFF  }
0xa5: {  	s26 =	simm.s32 $execute0_lowered;
	[smem:$0x3FD2] =	sst s25  }
0xa6: {  	s5 =	sshll.u32 s26, $0x1;
	_ =	strace $0x80000046;
	[dreg:$0x1] =	wrdreg $0xFFFFFFFF  }
0xa7: {  	s28 =	simm.s32 $_size_execute0_lowered;
	s3 =	sadd.s32 s3, s5;
	[dreg:$0x0] =	wrdreg $0x0  }
0xa8: {  	s5 =	sshll.u32 s28, $0x1;
	[dreg:$0x2] =	wrdreg s3  }
0xa9: {  	[dreg:$0x3] =	wrdreg s5  }
0xaa: {  	[dreg:$0x4] =	wrdreg $0xC0  }
0xab: {  	_ =	task [dreg:s7], $0x5FFFF  }
0xac: {  	[dreg:$0x1] =	wrdreg $0xFFFFFFFF  }
0xad: {  	[dreg:$0x0] =	wrdreg $0x60  }
0xae: {  	[dreg:$0x2] =	wrdreg s24  }
0xaf: {  	[dreg:$0x3] =	wrdreg s2  }
0xb0: {  	[dreg:$0x4] =	wrdreg $0x9  }
0xb1: {  	_ =	task.clear_ibuf [dreg:s7], $0x5FFFF;
	_ =	strace $0x90000046  }
0xb2: {  	s29 =	simm.s32 $0x9;
	_ =	strace $0x8000004F  }
0xb3: {  	_ =	swait.ge [sflag:s29], $0x1  }
0xb4: {  	[sflag:s29] =	ssyncadd.s32 $0xFFFFFFFF  }
0xb5: {  	_ =	strace $0x9000004F  }
0xb6: {  	_ =	sfence  }
0xb7: {  	s30 =	sld [smem:$0x0];
	_ =	sdelay $0x2  }
0xb8: {  	s31 =	sshll.u32 s1, $0xD;
	s1 =	sshrl.u32 s1, $0x2  }
0xb9: {  	s3 =	sand.u32 $0x4000, s31;
	s1 =	sadd.s32 s1, s30  }
0xba: {  	s0 =	sor.u32 s3, s0;
	s1 =	sshll.u32 s1, $0x11  }
0xbb: {  	s0 =	sor.u32 s1, s0  }
0xbc: {  	s0 =	sadd.s32 $0x8F2B, s0  }
0xbd: {  	[sflag:s0] =	ssyncadd.remote.s32 $0x1  }
0xbe: {  	_ =	sfence.sel $0xFFFF  }
0xbf: {  	[dreg:$0x0] =	wrdreg $0xFFFFFFFF;
	(pc) =	sbr.abs _section_cstart, $3  }
0xc0: {  	[dreg:$0x1] =	wrdreg $0xFFFFFFFF  }
0xc1: {  	_ =	task.clear_ibuf [dreg:s7], $0x2FFFF;
	_ =	strace $0x9FFFFFFF  }
0xc2: {  	(tm) =	ssettm $0x7FFFFFFF  }
0xc3: {  	_ =	shalt  }
tec
execute0_lowered:
.L_overlay_start_1:
0x0: {  	(tag) =	ssettag $0x1  }
0x1: {  	s4 =	rddreg [dreg:$0x0]  }
0x2: {  	s1 =	rddreg [dreg:$0x1]  }
0x3: {  	s0 =	rddreg [dreg:$0x2];
	s2 =	simm.s32 $0x0  }
0x4: {  	s3 =	srdreg.scid;
	s31 =	simm.s32 $0x80;
	s9 =	simm.s32 $0x3  }
0x5: {  	s10 =	simm.s32 $0x0;
	[smem:$0x7FF] =	sst s2;
	s5 =	sand.u32 $0x1, s3  }
0x6: {  	s6 =	sadd.s32 $0x6C1400, s4;
	s3 =	stileid.u32;
	s4 =	sadd.s32 $0xD400, s4  }
0x7: {  	_ =	strace $0x80000047;
	s7 =	sshll.u32 s5, $0x4;
	s5 =	ssub.s32 $0x2, s5  }
0x8: {  	[dreg:$0x3] =	wrdreg s6;
	s29 =	sor.u32 s3, s7;
	s30 =	sshrl.u32 s5, $0x1  }
0x9: {  	[dreg:$0x5] =	wrdreg s4;
	s8 =	smul.u32 $0x110, s29;
	s7 =	ssub.s32 s5, s30  }
0xa: {  	[dreg:$0x4] =	wrdreg s31;
	s4 =	smul.u32 $0x11, s29;
	s6 =	smax.u32 s7, $0x1  }
0xb: {  	s7 =	simm.s32 $0x1;
	s5 =	sadd.s32 s1, s8;
	s8 =	simm.s32 $0x5  }
.LBB2_1:
0xc: {  	_ =	strace $0x80000048;
	s11 =	simm.s32 $0x1;
	p0 =	por $0x0, $0x0  }
0xd: {  	[tilespmem:s2], [sflag:$0x1] =	stream.linear.gather [hbm4b:s5+s2], $0x80, $0x200038;
	[tilespmem:$0x8100] =	vst v63  }
0xe: {  	s11 =	simm.s32 @p0 $0x0  }
0xf: {  	p4 =	por $0x1, $0x1;
	s20 =	sand.u32 $0x1, s2;
	p1 =	sne.s32 s11, $0x0  }
0x10: {  	p2 =	por $0x1, $0x1;
	s18 =	simm.s32 $0xE;
	p0 =	por !p4, !p1  }
0x11: {  	s16 =	simm.s32 $0x0;
	p5 =	por $0x0, $0x0;
	p0 =	por !p0, !p0  }
0x12: {  	s23 =	sadd.s32 $0x0, s4;
	s30 =	sadd.s32 $0x1, s20;
	s12 =	sadd.s32 @p0 s4, s11  }
0x13: {  	_ =	strace $0x90000048;
	s13 =	sand.u32 @p0 $0x1, s7;
	s12 =	sshll.u32 @p0 s12, $0x4  }
0x14: {  	_ =	strace @p0 $0x80000049;
	s15 =	simm.s32 @p0 $0x0;
	s12 =	sand.u32 @p0 $0x1FFFFFF0, s12  }
0x15: {  	s14 =	sshll.u32 @p0 s13, $0x7;
	s13 =	sadd.s32 @p0 $0x1, s13;
	s12 =	sadd.s32 @p0 s1, s12  }
0x16: {  	[tilespmem:s14], [sflag:s13] =	stream.linear.gather @p0 [hbm4b:s12+s15], $0x80, $0x200038;
	[tilespmem:$0x8100] =	vst v63  }
0x17: {  	p3 =	por p2, p2;
	s21 =	sshll.u32 s20, $0xE;
	_ =	strace @p0 $0x90000049  }
0x18: {  	s16 =	sand.u32 $0x80, s16;
	p2 =	por p5, p5;
	_ =	strace $0x8000004A  }
0x19: {  	s17 =	sadd.s32 $0x1, s11;
	s22 =	sor.u32 $0x100, s21;
	_ =	swait.ge [sflag:s30], $0x80  }
0x1a: {  	s21 =	simm.s32 $0x1;
	p6 =	por p1, p1;
	[sflag:s30] =	ssyncset.done $0x0  }
0x1b: {  	p1 =	por p3, p3;
	p4 =	por $0x1, $0x1;
	[sflag:s30] =	ssyncadd.s32 $0xFFFFFF80  }
0x1c: {  	s12 =	simm.s32 $0xF;
	s15 =	sand.u32 @!p3 $0x1, s2;
	_ =	strace $0x9000004A  }
0x1d: {  	s13 =	simm.s32 $0x1;
	p3 =	seq.s32 s17, $0x11;
	_ =	strace $0x8000004B  }
0x1e: {  	s13 =	simm.s32 @!p0 $0x0;
	s17 =	simm.s32 @p3 $0x0;
	s19 =	rddreg [dreg:$0x4]  }
0x1f: {  	p0 =	por $0x0, $0x0;
	s14 =	sadd.s32 $0x1, s13;
	s31 =	rddreg [dreg:$0x3]  }
0x20: {  	[tilespmem:s22], [sflag:$0x5] =	stream.indirect.gather [hbm4b:s31+s19], $0x80, s16, s19, $0x2000b8;
	[tilespmem:$0x8100] =	vst v63  }
0x21: {  	p3 =	sne.s32 s11, s17;
	s21 =	simm.s32 @!p0 $0x0;
	_ =	swait.ge [sflag:s8], $0x4000  }
0x22: {  	p5 =	por !p4, !p3;
	p4 =	por $0x0, $0x0;
	[sflag:s8] =	ssyncset.done $0x0  }
0x23: {  	s13 =	simm.s32 $0x0;
	p6 =	por p4, p6;
	[sflag:s8] =	ssyncadd.s32 $0xFFFFC000  }
0x24: {  	s16 =	simm.s32 $0x0;
	s19 =	simm.s32 $0x0;
	_ =	strace $0x9000004B  }
.LBB2_2:
0x25: {  	_ =	strace @p6 $0x8000004C;
	s13 =	sadd.s32 s21, s13;
	s21 =	smov.u32 s12  }
0x26: {  	s12 =	smov.u32 s18;
	s18 =	sadd.s32 $0xFFFFFFFF, s18;
	p0 =	por p3, p3  }
0x27: {  	s28 =	sshll.u32 @p6 s23, $0xB;
	s20 =	sadd.s32 @p6 $0x3, s20;
	s24 =	simm.s32 @!p0 $0x0  }
0x28: {  	s25 =	rddreg [dreg:$0x5];
	s28 =	sand.u32 @p6 $0x1FFFF800, s28;
	s24 =	simm.s32 @p0 $0x1  }
0x29: {  	s25 =	sadd.s32 @p6 s25, s28;
	s28 =	simm.s32 @p6 $0x0;
	p0 =	sne.s32 s18, $0xFFFFFFFF  }
0x2a: {  	[hbm4b:s25+s28] =	stream.linear.scatter @p6 [tilespmem:s22], [sflag:s20], $0x4000, $0x200038;
	[tilespmem:$0x8100] =	vst v63  }
0x2b: {  	s20 =	sadd.s32 @!p1 $0x3, s15;
	s15 =	simm.s32 @!p0 $0x0  }
0x2c: {  	s26 =	simm.s32 $0x1;
	[smem:$0x7FC] =	sst s24;
	s15 =	simm.s32 @p0 $0x1  }
0x2d: {  	s26 =	simm.s32 @!p6 $0x0;
	_ =	strace @p6 $0x9000004C;
	[smem:$0x7FD] =	sst s15  }
0x2e: {  	p5 =	por !p5, !p5;
	s19 =	sadd.s32 s26, s19;
	_ =	strace @!p1 $0x8000004D  }
0x2f: {  	s24 =	sand.u32 @!p2 $0x1, s13;
	s22 =	sand.u32 @p5 $0x1, s14;
	_ =	swait.ge @!p1 [sflag:s20], $0x4000  }
0x30: {  	s15 =	smov.u32 s24;
	s24 =	sadd.s32 @p5 s4, s17;
	[sflag:s20] =	ssyncset.done @!p1 $0x0  }
0x31: {  	s25 =	sshll.u32 @p5 s22, $0x7;
	s24 =	sshll.u32 @p5 s24, $0x4;
	[sflag:s20] =	ssyncadd.s32 @!p1 $0xFFFFC000  }
0x32: {  	s20 =	sadd.s32 @p5 $0x1, s22;
	s22 =	sand.u32 @p5 $0x1FFFFFF0, s24;
	_ =	strace @!p1 $0x9000004D  }
0x33: {  	s24 =	simm.s32 @p5 $0x0;
	s22 =	sadd.s32 @p5 s1, s22;
	_ =	strace @p5 $0x80000049  }
0x34: {  	[tilespmem:s25], [sflag:s20] =	stream.linear.gather @p5 [hbm4b:s22+s24], $0x80, $0x200038;
	[tilespmem:$0x8100] =	vst v63  }
0x35: {  	s16 =	sadd.s32 s26, s16;
	s26 =	sand.u32 $0x1, s19;
	_ =	strace @p5 $0x90000049  }
0x36: {  	s24 =	sadd.s32 $0x1, s26;
	_ =	strace $0x8000004A  }
0x37: {  	_ =	swait.ge [sflag:s24], $0x80  }
0x38: {  	[sflag:s24] =	ssyncset.done $0x0  }
0x39: {  	s20 =	simm.s32 $0x1;
	[sflag:s24] =	ssyncadd.s32 $0xFFFFFF80  }
0x3a: {  	s20 =	simm.s32 @!p5 $0x0;
	_ =	strace $0x9000004A  }
0x3b: {  	s14 =	sadd.s32 s20, s14;
	s20 =	sand.u32 $0x1, s16;
	_ =	strace $0x8000004B  }
0x3c: {  	s29 =	sshll.u32 s19, $0x7;
	s25 =	sshll.u32 s20, $0xE;
	s26 =	rddreg [dreg:$0x4]  }
0x3d: {  	s29 =	sand.u32 $0x80, s29;
	s22 =	sor.u32 $0x100, s25;
	s30 =	rddreg [dreg:$0x3]  }
0x3e: {  	[tilespmem:s22], [sflag:$0x5] =	stream.indirect.gather [hbm4b:s30+s26], $0x80, s29, s26, $0x2000b8;
	[tilespmem:$0x8100] =	vst v63  }
0x3f: {  	_ =	swait.ge [sflag:s8], $0x4000  }
0x40: {  	s31 =	sadd.s32 $0x1, s17;
	[sflag:s8] =	ssyncset.done $0x0  }
0x41: {  	s23 =	sadd.s32 s4, s11;
	s11 =	smov.u32 s17;
	[sflag:s8] =	ssyncadd.s32 $0xFFFFC000  }
0x42: {  	p3 =	seq.s32 s31, $0x11;
	s17 =	smov.u32 s31;
	_ =	strace $0x9000004B  }
0x43: {  	s17 =	simm.s32 @p3 $0x0;
	s31 =	sld [smem:$0x7FD]  }
0x44: {  	p6 =	sne.s32 s12, $0x0;
	p0 =	sne.s32 s21, $0x10;
	p3 =	sne.s32 s11, s17  }
0x45: {  	p5 =	por !p6, !p3;
	p6 =	seq.s32 s21, $0x0;
	s21 =	simm.s32 $0x1  }
0x46: {  	s21 =	simm.s32 @!p0 $0x0;
	p0 =	seq.s32 s31, $0x1  }
.Ltmp0:
0x47: {  	s30 =	sld [smem:$0x7FC];
	(pc) =	sbr.rel @p0 .LBB2_2-.Ltmp0, $4  }
0x48: {  	_ = 	snop  }
0x49: {  	p4 =	seq.s32 s12, $0x10  }
0x4a: {  	p1 =	por p2, p2;
	p2 =	por p4, p4;
	p4 =	seq.s32 s30, $0x1  }
0x4b: {  	p6 =	por p6, p4  }
0x4c: {  	_ =	strace @p6 $0x8000004C;
	s23 =	sshll.u32 @p6 s23, $0xB  }
0x4d: {  	s18 =	rddreg [dreg:$0x5];
	s23 =	sand.u32 @p6 $0x1FFFF800, s23  }
0x4e: {  	s20 =	sadd.s32 @p6 $0x3, s20;
	s18 =	sadd.s32 @p6 s18, s23;
	s23 =	simm.s32 @p6 $0x0  }
0x4f: {  	[hbm4b:s18+s23] =	stream.linear.scatter @p6 [tilespmem:s22], [sflag:s20], $0x4000, $0x200038;
	[tilespmem:$0x8100] =	vst v63  }
0x50: {  	p0 =	por !p5, !p5;
	_ =	strace @p6 $0x9000004C  }
0x51: {  	s15 =	sadd.s32 @!p1 $0x3, s15;
	s17 =	sadd.s32 @p0 s4, s17;
	_ =	strace @!p1 $0x8000004D  }
0x52: {  	s14 =	sand.u32 @p0 $0x1, s14;
	s17 =	sshll.u32 @p0 s17, $0x4;
	_ =	swait.ge @!p1 [sflag:s15], $0x4000  }
0x53: {  	s18 =	simm.s32 $0x1;
	s20 =	sshll.u32 @p0 s14, $0x7;
	[sflag:s15] =	ssyncset.done @!p1 $0x0  }
0x54: {  	s14 =	sadd.s32 @p0 $0x1, s14;
	s18 =	simm.s32 @!p6 $0x0;
	[sflag:s15] =	ssyncadd.s32 @!p1 $0xFFFFC000  }
0x55: {  	s19 =	sadd.s32 s18, s19;
	s15 =	sand.u32 @p0 $0x1FFFFFF0, s17;
	_ =	strace @!p1 $0x9000004D  }
0x56: {  	s17 =	simm.s32 @p0 $0x0;
	s15 =	sadd.s32 @p0 s1, s15;
	_ =	strace @p0 $0x80000049  }
0x57: {  	[tilespmem:s20], [sflag:s14] =	stream.linear.gather @p0 [hbm4b:s15+s17], $0x80, $0x200038;
	[tilespmem:$0x8100] =	vst v63  }
0x58: {  	s25 =	sand.u32 $0x1, s19;
	_ =	strace @p0 $0x90000049  }
0x59: {  	s14 =	sadd.s32 $0x1, s25;
	_ =	strace $0x8000004A  }
0x5a: {  	_ =	swait.ge [sflag:s14], $0x80  }
0x5b: {  	[sflag:s14] =	ssyncset.done $0x0  }
0x5c: {  	[sflag:s14] =	ssyncadd.s32 $0xFFFFFF80  }
0x5d: {  	s26 =	sadd.s32 s18, s16;
	_ =	strace $0x9000004A  }
0x5e: {  	s14 =	sand.u32 $0x1, s26;
	_ =	strace $0x8000004B  }
0x5f: {  	s30 =	sshll.u32 s19, $0x7;
	s31 =	sshll.u32 s14, $0xE;
	s28 =	rddreg [dreg:$0x4]  }
0x60: {  	s17 =	sand.u32 $0x80, s30;
	s18 =	sor.u32 $0x100, s31;
	s29 =	rddreg [dreg:$0x3]  }
0x61: {  	[tilespmem:s18], [sflag:$0x5] =	stream.indirect.gather [hbm4b:s29+s28], $0x80, s17, s28, $0x2000b8;
	[tilespmem:$0x8100] =	vst v63  }
0x62: {  	_ =	swait.ge [sflag:s8], $0x4000  }
0x63: {  	[sflag:s8] =	ssyncset.done $0x0  }
0x64: {  	p5 =	por p3, p3;
	p6 =	seq.s32 s12, $0x0;
	[sflag:s8] =	ssyncadd.s32 $0xFFFFC000  }
0x65: {  	s11 =	sadd.s32 s4, s11;
	p0 =	por p6, p5;
	_ =	strace $0x9000004B  }
0x66: {  	s11 =	sshll.u32 @p0 s11, $0xB;
	_ =	strace @p0 $0x8000004C  }
0x67: {  	s13 =	sadd.s32 s21, s13;
	s11 =	sand.u32 @p0 $0x1FFFF800, s11;
	s12 =	rddreg [dreg:$0x5]  }
0x68: {  	s14 =	sadd.s32 @p0 $0x3, s14;
	s11 =	sadd.s32 @p0 s12, s11;
	s12 =	simm.s32 @p0 $0x0  }
0x69: {  	[hbm4b:s11+s12] =	stream.linear.scatter @p0 [tilespmem:s18], [sflag:s14], $0x4000, $0x200038;
	[tilespmem:$0x8100] =	vst v63  }
0x6a: {  	p1 =	por p2, p2;
	s11 =	sand.u32 @!p2 $0x1, s13;
	_ =	strace @p0 $0x9000004C  }
0x6b: {  	s11 =	sadd.s32 @!p1 $0x3, s11;
	_ =	strace @!p1 $0x8000004D  }
0x6c: {  	_ =	swait.ge @!p1 [sflag:s11], $0x4000  }
0x6d: {  	[sflag:s11] =	ssyncset.done @!p1 $0x0  }
0x6e: {  	s10 =	sadd.s32 $0x1, s10;
	[sflag:s11] =	ssyncadd.s32 @!p1 $0xFFFFC000  }
0x6f: {  	p0 =	sne.s32 s10, s6;
	_ =	strace @!p1 $0x9000004D  }
.Ltmp1:
0x70: {  	_ =	strace $0x8000004E;
	(pc) =	sbr.rel @p0 .LBB2_1-.Ltmp1, $4  }
0x71: {  	_ =	swait.ge [sflag:s9], $0x4000  }
0x72: {  	[sflag:s9] =	ssyncset.done $0x0  }
0x73: {  	[sflag:s9] =	ssyncadd.s32 $0xFFFFC000  }
0x74: {  	_ =	strace $0x9000004E  }
0x75: {  	_ =	sfence.sel $0x180000  }
0x76: {  	[bflag:$0x0] =	sbarrier.arrive $0xFFFF  }
0x77: {  	p0 =	sne.s32 s3, $0x0;
	_ =	strace $0x90000047  }
0x78: {  	s0 =	sadd.s32 @!p0 $0x100000, s0;
	[bflag:$0x2] =	sbarrier.arrive $0xFFFF  }
0x79: {  	[sflag:s0] =	ssyncadd.tile.s32 @!p0 $0x1;
	_ =	shalt  }
.Lfunc_end2:
_tile_overlayer_lowered:
.L_overlay_start_2:
0x7a: {  	(tag) =	ssettag $0x2  }
0x7b: {  	s0 =	rddreg [dreg:$0x0];
	s2 =	stileid.u32  }
0x7c: {  	s1 =	rddreg [dreg:$0x1];
	p0 =	sne.s32 s2, $0x0  }
0x7d: {  	s3 =	rddreg [dreg:$0x2];
	[bflag:$0x3] =	sbarrier.arrive $0xFFFF;
	s2 =	simm.s32 @!p0 $0x1C01  }
0x7e: {  	[timem:s3], [sflag:s2] =	dma.local @!p0 [hbm:s0], s1  }
0x7f: {  	s0 =	simm.s32 @!p0 $0x1  }
0x80: {  	_ =	swait.ge @!p0 [sflag:s0], s1  }
0x81: {  	s1 =	ssub.s32 @!p0 $0x0, s1;
	[sflag:s0] =	ssyncset.done @!p0 $0x0  }
0x82: {  	[sflag:s0] =	ssyncadd.s32 @!p0 s1  }
0x83: {  	[bflag:$0x3] =	sbarrier.arrive $0xFFFF  }
0x84: {  	_ =	shalt  }

</sc_bundles>
